<compile_context>
chip_gen: v7x
topology: tpu7x:2x2x1
jax: 0.10.2.dev20260603
libtpu: 0.0.44.dev20260713+nightly
codegen_flags: <defaults>
</compile_context>

<pallas_src>
import functools

import jax
import jax.numpy as jnp
from jax import lax
from jax.experimental import pallas as pl
from jax.experimental.pallas import tpu as pltpu
from jax.experimental.pallas import tpu_sc as plsc

B = 16384
F = 26
NROWS = B * F
EMB = 32
C_OUT = 128
N_TOK = 1000000

TBLK = 2048
SUB = 512
PACK = 4
N_PBLKS = -(-N_TOK // TBLK)
PACK_ROWS = N_PBLKS * SUB
LIN_ROWS = PACK_ROWS * PACK


def _pack_body(t_ref, i_ref, o_ref):
    t = t_ref[...]
    tstack = jnp.concatenate(
        [t[:, j * SUB:(j + 1) * SUB] for j in range(PACK)], axis=0
    )
    o_ref[...] = lax.dot_general(
        tstack, i_ref[...], (((0,), (0,)), ((), ())),
        preferred_element_type=jnp.float32,
    )


def _pack_table(table_t, ident):
    return pl.pallas_call(
        _pack_body,
        grid=(N_PBLKS,),
        in_specs=[
            pl.BlockSpec((EMB, TBLK), lambda i: (0, i)),
            pl.BlockSpec((PACK * EMB, PACK * EMB), lambda i: (0, 0)),
        ],
        out_specs=pl.BlockSpec((SUB, PACK * EMB), lambda i: (i, 0)),
        out_shape=jax.ShapeDtypeStruct((PACK_ROWS, PACK * EMB), jnp.float32),
    )(table_t, ident)


KSPLIT = 2
NR_K = NROWS // KSPLIT
NC = 2
NS = 16
NW = NC * NS
B_PER_W = NR_K // NW
CHUNK = 832
N_CHUNKS = B_PER_W // CHUNK
IDX_VECS = B_PER_W // 16


def _make_sc_gather(slice_base):
    @functools.partial(
        pl.kernel,
        mesh=plsc.VectorSubcoreMesh(core_axis_name="c", subcore_axis_name="s"),
        out_type=jax.ShapeDtypeStruct((NR_K, EMB), jnp.float32),
        scratch_types=[
            pltpu.VMEM((B_PER_W,), jnp.int32),
            pltpu.VMEM((CHUNK, EMB), jnp.float32),
            pltpu.VMEM((CHUNK, EMB), jnp.float32),
            pltpu.SemaphoreType.DMA,
            pltpu.SemaphoreType.DMA,
        ],
        compiler_params=pltpu.CompilerParams(use_tc_tiling_on_sc=False),
    )
    def _sc_gather(idx_hbm, lin_hbm, out_hbm, idx_v, rows_v0, rows_v1,
                   gsem, ssem):
        wid = lax.axis_index("s") * NC + lax.axis_index("c")
        base = wid * B_PER_W
        pltpu.sync_copy(idx_hbm.at[pl.ds(slice_base + base, B_PER_W)], idx_v)

        def xform(k, _):
            t = idx_v[pl.ds(k * 16, 16)]
            g = (t & ~jnp.int32(2047)) | ((t & jnp.int32(511)) << 2) \
                | ((t >> 9) & jnp.int32(3))
            idx_v[pl.ds(k * 16, 16)] = g
            return _

        lax.fori_loop(0, IDX_VECS, xform, 0)

        row_bufs = (rows_v0, rows_v1)

        def start_gather(j):
            return pltpu.async_copy(
                lin_hbm.at[idx_v.at[pl.ds(j * CHUNK, CHUNK)]],
                row_bufs[j % 2], gsem
            )

        gathers = {0: start_gather(0)}
        scatters = {}
        for j in range(N_CHUNKS):
            if j + 1 < N_CHUNKS:
                if j - 1 >= 0:
                    scatters.pop(j - 1).wait()
                gathers[j + 1] = start_gather(j + 1)
            gathers.pop(j).wait()
            scatters[j] = pltpu.async_copy(
                row_bufs[j % 2], out_hbm.at[pl.ds(base + j * CHUNK, CHUNK)],
                ssem
            )
        scatters.pop(N_CHUNKS - 1).wait()

    return _sc_gather


_SC_GATHERS = [_make_sc_gather(k * NR_K) for k in range(KSPLIT)]


RBLK = 1024
PR = NROWS // PACK
PR_K = NR_K // PACK
N_MBLKS_K = PR_K // RBLK


def _mm_body_first(e_ref, w_ref, b_ref, o_ref):
    o_ref[...] = (
        jnp.dot(e_ref[...], w_ref[...], preferred_element_type=jnp.float32)
        + b_ref[...]
    )


def _mm_body_acc(prev_ref, e_ref, w_ref, b_ref, o_ref):
    del prev_ref
    o_ref[...] = (
        jnp.dot(e_ref[...], w_ref[...], preferred_element_type=jnp.float32)
        + b_ref[...]
    )


def _mm_slice(emb_pack, w4, b4, kblk, prev=None):
    common = dict(
        grid=(N_MBLKS_K,),
        out_specs=pl.BlockSpec(
            (RBLK, PACK * C_OUT), lambda i, kblk=kblk: (kblk + i, 0)
        ),
        out_shape=jax.ShapeDtypeStruct((PR, PACK * C_OUT), jnp.float32),
    )
    especs = [
        pl.BlockSpec((RBLK, PACK * EMB), lambda i: (i, 0)),
        pl.BlockSpec((PACK * EMB, PACK * C_OUT), lambda i: (0, 0)),
        pl.BlockSpec((1, PACK * C_OUT), lambda i: (0, 0)),
    ]
    if prev is None:
        return pl.pallas_call(_mm_body_first, in_specs=especs, **common)(
            emb_pack, w4, b4
        )
    return pl.pallas_call(
        _mm_body_acc,
        in_specs=[pl.BlockSpec(memory_space=pl.ANY)] + especs,
        input_output_aliases={0: 0},
        **common,
    )(prev, emb_pack, w4, b4)


@jax.jit
def kernel(x, table, W_out, b_out):
    lin = _pack_table(
        table.T, jnp.eye(PACK * EMB, dtype=jnp.float32)
    ).reshape(LIN_ROWS, EMB)
    idx = x.T.reshape(-1).astype(jnp.int32)
    wt = W_out.T
    eye = jnp.eye(PACK, dtype=jnp.float32)
    w4 = (eye[:, None, :, None] * wt[None, :, None, :]).reshape(
        PACK * EMB, PACK * C_OUT
    )
    b4 = jnp.tile(b_out, PACK).reshape(1, PACK * C_OUT)
    embs = [_SC_GATHERS[k](idx, lin) for k in range(KSPLIT)]
    out4 = None
    for k in range(KSPLIT):
        out4 = _mm_slice(
            embs[k].reshape(PR_K, PACK * EMB), w4, b4, k * N_MBLKS_K, out4
        )
    return out4.reshape(F, B, C_OUT).transpose(1, 0, 2)

# --- scband reference (transcript-rebuilt; emitter-appended) ---
"""Pipeline reference for scband-low-dimensional-embedding-32633161515745 (READ-ONLY COPY).

The authoritative reference and input builder live on the scoring server;
editing this copy changes nothing except your own understanding.
"""

import jax, jax.numpy as jnp
import numpy as np

N_TOKENS = 1000000
EMB_SIZE = 32
N_CHANNELS = 128
BATCH = 16384
N_FIELDS = 26


def setup_inputs(seed: int = 0) -> dict:
    key = jax.random.key(seed)
    k_idx, k_tab, k_w, k_b = jax.random.split(key, 4)
    x = jax.random.randint(k_idx, (BATCH, N_FIELDS), 0, N_TOKENS, dtype=jnp.int64 if jax.config.jax_enable_x64 else jnp.int32)
    table = jax.random.normal(k_tab, (N_TOKENS, EMB_SIZE), dtype=jnp.float32)
    # Linear(embedding_size -> n_channels): weight [out, in], bias [out]
    W_out = jax.random.normal(k_w, (N_CHANNELS, EMB_SIZE), dtype=jnp.float32) * (1.0 / np.sqrt(EMB_SIZE))
    b_out = jax.random.normal(k_b, (N_CHANNELS,), dtype=jnp.float32) * 0.01
    return {"x": x, "table": table, "W_out": W_out, "b_out": b_out}


def reference(x, table, W_out, b_out):
    # embedding lookup (gather)
    emb = jnp.take(table, x, axis=0)  # [B, F, EMB_SIZE]
    # out_map: Linear(embedding_size, n_channels)
    out = jnp.einsum('bfe,ce->bfc', emb, W_out) + b_out  # [B, F, N_CHANNELS]
    return out

if __name__ == "__main__":
    import jax
    _d = setup_inputs()
    print(jax.jit(kernel)(*tuple(_d.values())))

</pallas_src>

<mosaic_0001>
#map = affine_map<(d0, d1) -> (0)>
#map1 = affine_map<(d0, d1) -> (0, 0)>
module attributes {stable_mosaic.version = 14 : i64} {
  func.func @_sc_gather(%arg0: i32, %arg1: i32, %arg2: memref<425984xi32, #tpu.memory_space<hbm>>, %arg3: memref<1001472x32xf32, #tpu.memory_space<hbm>>, %arg4: memref<212992x32xf32, #tpu.memory_space<hbm>>, %arg5: memref<6656xi32, #tpu.memory_space<vmem>>, %arg6: memref<832x32xf32, #tpu.memory_space<vmem>>, %arg7: memref<832x32xf32, #tpu.memory_space<vmem>>, %arg8: memref<!tpu.dma_semaphore, #tpu.memory_space<semaphore_mem>>, %arg9: memref<!tpu.dma_semaphore, #tpu.memory_space<semaphore_mem>>) attributes {dimension_semantics = [#tpu.dimension_semantics<core_parallel>, #tpu.dimension_semantics<subcore_parallel>], iteration_bounds = array<i64: 2, 16>, scalar_prefetch = 0 : i64, scratch_operands = 5 : i64, tpu.core_type = #tpu.core_type<sc_vector_subcore>, window_params = [{transform_indices = #map}, {transform_indices = #map1}, {transform_indices = #map1}]} {
    %mul3A = arith.constant 2 : i32
    %mul3A_0 = arith.muli %arg1, %mul3A : i32
    %add3A = arith.addi %mul3A_0, %arg0 : i32
    %mul3A_1 = arith.constant 6656 : i32
    %mul3A_2 = arith.muli %add3A, %mul3A_1 : i32
    %add3A_3 = arith.constant 0 : i32
    %add3A_4 = arith.addi %add3A_3, %mul3A_2 : i32
    "tpu.region"() ({
      %run_scoped3A = tpu.sem_alloc : memref<!tpu.dma_semaphore, #tpu.memory_space<semaphore_mem>>
      %dma_start3A_164 = tpu.memref_slice %arg2[%add3A_4] : memref<425984xi32, #tpu.memory_space<hbm>> -> memref<6656xi32, #tpu.memory_space<hbm>>
      %dma_start3A_165 = tpu.memref_slice %arg2[%add3A_4] : memref<425984xi32, #tpu.memory_space<hbm>> -> memref<6656xi32, #tpu.memory_space<hbm>>
      tpu.enqueue_dma source(%dma_start3A_165 : memref<6656xi32, #tpu.memory_space<hbm>>) target(%arg5 : memref<6656xi32, #tpu.memory_space<vmem>>) target_semaphore(%run_scoped3A : memref<!tpu.dma_semaphore, #tpu.memory_space<semaphore_mem>>)
      %dma_wait3A_166 = tpu.memref_slice %arg2[%add3A_4] : memref<425984xi32, #tpu.memory_space<hbm>> -> memref<6656xi32, #tpu.memory_space<hbm>>
      %dma_wait3A_167 = tpu.memref_slice %arg2[%add3A_4] : memref<425984xi32, #tpu.memory_space<hbm>> -> memref<6656xi32, #tpu.memory_space<hbm>>
      tpu.wait_dma2 semaphore(%run_scoped3A : memref<!tpu.dma_semaphore, #tpu.memory_space<semaphore_mem>>) src(%dma_wait3A_167 : memref<6656xi32, #tpu.memory_space<hbm>>) dst(%arg5 : memref<6656xi32, #tpu.memory_space<vmem>>)
      tpu.yield
    }) : () -> ()
    %scan3A = arith.constant 0 : i32
    %scan3A_5 = arith.constant 0 : i32
    %scan3A_6 = arith.constant 416 : i32
    %scan3A_7 = arith.addi %scan3A_5, %scan3A_6 : i32
    %scan3A_8 = arith.constant 1 : i32
    scf.for %scan3A_164 = %scan3A_5 to %scan3A_7 step %scan3A_8  : i32 {
      %mul3A_165 = arith.constant 16 : i32
      %mul3A_166 = arith.muli %scan3A_164, %mul3A_165 : i32
      %get3A = arith.index_cast %mul3A_166 : i32 to index
      %get3A_167 = tpu.vector_load %arg5[%get3A] {strides = array<i32>} : memref<6656xi32, #tpu.memory_space<vmem>>, vector<16xi32>,
      %get3A_168 = vector.shape_cast %get3A_167 : vector<16xi32> to vector<16xi32>
      %not3A = arith.constant 2047 : i32
      %not3A_169 = arith.constant -1 : i32
      %not3A_170 = arith.xori %not3A, %not3A_169 : i32
      %and3A = vector.broadcast %not3A_170 : i32 to vector<16xi32>
      %and3A_171 = arith.andi %get3A_168, %and3A : vector<16xi32>
      %and3A_172 = arith.constant 511 : i32
      %and3A_173 = vector.broadcast %and3A_172 : i32 to vector<16xi32>
      %and3A_174 = arith.andi %get3A_168, %and3A_173 : vector<16xi32>
      %shift_left3A = arith.constant 2 : i32
      %shift_left3A_175 = vector.broadcast %shift_left3A : i32 to vector<16xi32>
      %shift_left3A_176 = arith.shli %and3A_174, %shift_left3A_175 : vector<16xi32>
      %or3A = arith.ori %and3A_171, %shift_left3A_176 : vector<16xi32>
      %shift_right_arithmetic3A = arith.constant 9 : i32
      %shift_right_arithmetic3A_177 = vector.broadcast %shift_right_arithmetic3A : i32 to vector<16xi32>
      %shift_right_arithmetic3A_178 = arith.shrsi %get3A_168, %shift_right_arithmetic3A_177 : vector<16xi32>
      %and3A_179 = arith.constant 3 : i32
      %and3A_180 = vector.broadcast %and3A_179 : i32 to vector<16xi32>
      %and3A_181 = arith.andi %shift_right_arithmetic3A_178, %and3A_180 : vector<16xi32>
      %or3A_182 = arith.ori %or3A, %and3A_181 : vector<16xi32>
      %mul3A_183 = arith.constant 16 : i32
      %mul3A_184 = arith.muli %scan3A_164, %mul3A_183 : i32
      %swap3A = arith.index_cast %mul3A_184 : i32 to index
      %swap3A_185 = tpu.vector_load %arg5[%swap3A] {strides = array<i32>} : memref<6656xi32, #tpu.memory_space<vmem>>, vector<16xi32>,
      %swap3A_186 = vector.shape_cast %swap3A_185 : vector<16xi32> to vector<16xi32>
      %swap3A_187 = vector.shape_cast %or3A_182 : vector<16xi32> to vector<16xi32>
      tpu.vector_store %arg5[%swap3A], %swap3A_187 {strides = array<i32>} : memref<6656xi32, #tpu.memory_space<vmem>>, vector<16xi32>,
    }
    %scan3A_9 = arith.constant 416 : i32
    %dma_start3A = arith.constant 0 : i32
    %dma_start3A_10 = tpu.memref_slice %arg5[%dma_start3A] : memref<6656xi32, #tpu.memory_space<vmem>> -> memref<832xi32, #tpu.memory_space<vmem>>
    %dma_start3A_11 = arith.constant 0 : i32
    %dma_start3A_12 = arith.constant 0 : i32
    %dma_start3A_13 = tpu.memref_slice %arg3[%dma_start3A_11, %dma_start3A_12] : memref<1001472x32xf32, #tpu.memory_space<hbm>> -> memref<1001472x32xf32, #tpu.memory_space<hbm>>
    tpu.enqueue_indirect_dma source(%dma_start3A_13 : memref<1001472x32xf32, #tpu.memory_space<hbm>>) target(%arg6 : memref<832x32xf32, #tpu.memory_space<vmem>>) offsets(%dma_start3A_10 : memref<832xi32, #tpu.memory_space<vmem>>) semaphore(%arg8 : memref<!tpu.dma_semaphore, #tpu.memory_space<semaphore_mem>>)
    %dma_start3A_14 = arith.constant 832 : i32
    %dma_start3A_15 = tpu.memref_slice %arg5[%dma_start3A_14] : memref<6656xi32, #tpu.memory_space<vmem>> -> memref<832xi32, #tpu.memory_space<vmem>>
    %dma_start3A_16 = arith.constant 0 : i32
    %dma_start3A_17 = arith.constant 0 : i32
    %dma_start3A_18 = tpu.memref_slice %arg3[%dma_start3A_16, %dma_start3A_17] : memref<1001472x32xf32, #tpu.memory_space<hbm>> -> memref<1001472x32xf32, #tpu.memory_space<hbm>>
    tpu.enqueue_indirect_dma source(%dma_start3A_18 : memref<1001472x32xf32, #tpu.memory_space<hbm>>) target(%arg7 : memref<832x32xf32, #tpu.memory_space<vmem>>) offsets(%dma_start3A_15 : memref<832xi32, #tpu.memory_space<vmem>>) semaphore(%arg8 : memref<!tpu.dma_semaphore, #tpu.memory_space<semaphore_mem>>)
    %dma_wait3A = arith.constant 0 : i32
    %dma_wait3A_19 = tpu.memref_slice %arg5[%dma_wait3A] : memref<6656xi32, #tpu.memory_space<vmem>> -> memref<832xi32, #tpu.memory_space<vmem>>
    %dma_wait3A_20 = arith.constant 0 : i32
    %dma_wait3A_21 = arith.constant 0 : i32
    %dma_wait3A_22 = tpu.memref_slice %arg3[%dma_wait3A_20, %dma_wait3A_21] : memref<1001472x32xf32, #tpu.memory_space<hbm>> -> memref<1001472x32xf32, #tpu.memory_space<hbm>>
    tpu.wait_indirect_dma semaphore(%arg8 : memref<!tpu.dma_semaphore, #tpu.memory_space<semaphore_mem>>) src(%dma_wait3A_22 : memref<1001472x32xf32, #tpu.memory_space<hbm>>) dst(%arg6 : memref<832x32xf32, #tpu.memory_space<vmem>>)
    %add3A_23 = arith.constant 0 : i32
    %add3A_24 = arith.addi %mul3A_2, %add3A_23 : i32
    %dma_start3A_25 = arith.constant 0 : i32
    %dma_start3A_26 = tpu.memref_slice %arg4[%add3A_24, %dma_start3A_25] : memref<212992x32xf32, #tpu.memory_space<hbm>> -> memref<832x32xf32, #tpu.memory_space<hbm>>
    %dma_start3A_27 = arith.constant 0 : i32
    %dma_start3A_28 = tpu.memref_slice %arg4[%add3A_24, %dma_start3A_27] : memref<212992x32xf32, #tpu.memory_space<hbm>> -> memref<832x32xf32, #tpu.memory_space<hbm>>
    tpu.enqueue_dma source(%arg6 : memref<832x32xf32, #tpu.memory_space<vmem>>) target(%dma_start3A_28 : memref<832x32xf32, #tpu.memory_space<hbm>>) target_semaphore(%arg9 : memref<!tpu.dma_semaphore, #tpu.memory_space<semaphore_mem>>)
    %dma_wait3A_29 = arith.constant 0 : i32
    %dma_wait3A_30 = tpu.memref_slice %arg4[%add3A_24, %dma_wait3A_29] : memref<212992x32xf32, #tpu.memory_space<hbm>> -> memref<832x32xf32, #tpu.memory_space<hbm>>
    %dma_wait3A_31 = arith.constant 0 : i32
    %dma_wait3A_32 = tpu.memref_slice %arg4[%add3A_24, %dma_wait3A_31] : memref<212992x32xf32, #tpu.memory_space<hbm>> -> memref<832x32xf32, #tpu.memory_space<hbm>>
    tpu.wait_dma2 semaphore(%arg9 : memref<!tpu.dma_semaphore, #tpu.memory_space<semaphore_mem>>) src(%arg6 : memref<832x32xf32, #tpu.memory_space<vmem>>) dst(%dma_wait3A_32 : memref<832x32xf32, #tpu.memory_space<hbm>>)
    %dma_start3A_33 = arith.constant 1664 : i32
    %dma_start3A_34 = tpu.memref_slice %arg5[%dma_start3A_33] : memref<6656xi32, #tpu.memory_space<vmem>> -> memref<832xi32, #tpu.memory_space<vmem>>
    %dma_start3A_35 = arith.constant 0 : i32
    %dma_start3A_36 = arith.constant 0 : i32
    %dma_start3A_37 = tpu.memref_slice %arg3[%dma_start3A_35, %dma_start3A_36] : memref<1001472x32xf32, #tpu.memory_space<hbm>> -> memref<1001472x32xf32, #tpu.memory_space<hbm>>
    tpu.enqueue_indirect_dma source(%dma_start3A_37 : memref<1001472x32xf32, #tpu.memory_space<hbm>>) target(%arg6 : memref<832x32xf32, #tpu.memory_space<vmem>>) offsets(%dma_start3A_34 : memref<832xi32, #tpu.memory_space<vmem>>) semaphore(%arg8 : memref<!tpu.dma_semaphore, #tpu.memory_space<semaphore_mem>>)
    %dma_wait3A_38 = arith.constant 832 : i32
    %dma_wait3A_39 = tpu.memref_slice %arg5[%dma_wait3A_38] : memref<6656xi32, #tpu.memory_space<vmem>> -> memref<832xi32, #tpu.memory_space<vmem>>
    %dma_wait3A_40 = arith.constant 0 : i32
    %dma_wait3A_41 = arith.constant 0 : i32
    %dma_wait3A_42 = tpu.memref_slice %arg3[%dma_wait3A_40, %dma_wait3A_41] : memref<1001472x32xf32, #tpu.memory_space<hbm>> -> memref<1001472x32xf32, #tpu.memory_space<hbm>>
    tpu.wait_indirect_dma semaphore(%arg8 : memref<!tpu.dma_semaphore, #tpu.memory_space<semaphore_mem>>) src(%dma_wait3A_42 : memref<1001472x32xf32, #tpu.memory_space<hbm>>) dst(%arg7 : memref<832x32xf32, #tpu.memory_space<vmem>>)
    %add3A_43 = arith.constant 832 : i32
    %add3A_44 = arith.addi %mul3A_2, %add3A_43 : i32
    %dma_start3A_45 = arith.constant 0 : i32
    %dma_start3A_46 = tpu.memref_slice %arg4[%add3A_44, %dma_start3A_45] : memref<212992x32xf32, #tpu.memory_space<hbm>> -> memref<832x32xf32, #tpu.memory_space<hbm>>
    %dma_start3A_47 = arith.constant 0 : i32
    %dma_start3A_48 = tpu.memref_slice %arg4[%add3A_44, %dma_start3A_47] : memref<212992x32xf32, #tpu.memory_space<hbm>> -> memref<832x32xf32, #tpu.memory_space<hbm>>
    tpu.enqueue_dma source(%arg7 : memref<832x32xf32, #tpu.memory_space<vmem>>) target(%dma_start3A_48 : memref<832x32xf32, #tpu.memory_space<hbm>>) target_semaphore(%arg9 : memref<!tpu.dma_semaphore, #tpu.memory_space<semaphore_mem>>)
    %dma_wait3A_49 = arith.constant 0 : i32
    %dma_wait3A_50 = tpu.memref_slice %arg4[%add3A_44, %dma_wait3A_49] : memref<212992x32xf32, #tpu.memory_space<hbm>> -> memref<832x32xf32, #tpu.memory_space<hbm>>
    %dma_wait3A_51 = arith.constant 0 : i32
    %dma_wait3A_52 = tpu.memref_slice %arg4[%add3A_44, %dma_wait3A_51] : memref<212992x32xf32, #tpu.memory_space<hbm>> -> memref<832x32xf32, #tpu.memory_space<hbm>>
    tpu.wait_dma2 semaphore(%arg9 : memref<!tpu.dma_semaphore, #tpu.memory_space<semaphore_mem>>) src(%arg7 : memref<832x32xf32, #tpu.memory_space<vmem>>) dst(%dma_wait3A_52 : memref<832x32xf32, #tpu.memory_space<hbm>>)
    %dma_start3A_53 = arith.constant 2496 : i32
    %dma_start3A_54 = tpu.memref_slice %arg5[%dma_start3A_53] : memref<6656xi32, #tpu.memory_space<vmem>> -> memref<832xi32, #tpu.memory_space<vmem>>
    %dma_start3A_55 = arith.constant 0 : i32
    %dma_start3A_56 = arith.constant 0 : i32
    %dma_start3A_57 = tpu.memref_slice %arg3[%dma_start3A_55, %dma_start3A_56] : memref<1001472x32xf32, #tpu.memory_space<hbm>> -> memref<1001472x32xf32, #tpu.memory_space<hbm>>
    tpu.enqueue_indirect_dma source(%dma_start3A_57 : memref<1001472x32xf32, #tpu.memory_space<hbm>>) target(%arg7 : memref<832x32xf32, #tpu.memory_space<vmem>>) offsets(%dma_start3A_54 : memref<832xi32, #tpu.memory_space<vmem>>) semaphore(%arg8 : memref<!tpu.dma_semaphore, #tpu.memory_space<semaphore_mem>>)
    %dma_wait3A_58 = arith.constant 1664 : i32
    %dma_wait3A_59 = tpu.memref_slice %arg5[%dma_wait3A_58] : memref<6656xi32, #tpu.memory_space<vmem>> -> memref<832xi32, #tpu.memory_space<vmem>>
    %dma_wait3A_60 = arith.constant 0 : i32
    %dma_wait3A_61 = arith.constant 0 : i32
    %dma_wait3A_62 = tpu.memref_slice %arg3[%dma_wait3A_60, %dma_wait3A_61] : memref<1001472x32xf32, #tpu.memory_space<hbm>> -> memref<1001472x32xf32, #tpu.memory_space<hbm>>
    tpu.wait_indirect_dma semaphore(%arg8 : memref<!tpu.dma_semaphore, #tpu.memory_space<semaphore_mem>>) src(%dma_wait3A_62 : memref<1001472x32xf32, #tpu.memory_space<hbm>>) dst(%arg6 : memref<832x32xf32, #tpu.memory_space<vmem>>)
    %add3A_63 = arith.constant 1664 : i32
    %add3A_64 = arith.addi %mul3A_2, %add3A_63 : i32
    %dma_start3A_65 = arith.constant 0 : i32
    %dma_start3A_66 = tpu.memref_slice %arg4[%add3A_64, %dma_start3A_65] : memref<212992x32xf32, #tpu.memory_space<hbm>> -> memref<832x32xf32, #tpu.memory_space<hbm>>
    %dma_start3A_67 = arith.constant 0 : i32
    %dma_start3A_68 = tpu.memref_slice %arg4[%add3A_64, %dma_start3A_67] : memref<212992x32xf32, #tpu.memory_space<hbm>> -> memref<832x32xf32, #tpu.memory_space<hbm>>
    tpu.enqueue_dma source(%arg6 : memref<832x32xf32, #tpu.memory_space<vmem>>) target(%dma_start3A_68 : memref<832x32xf32, #tpu.memory_space<hbm>>) target_semaphore(%arg9 : memref<!tpu.dma_semaphore, #tpu.memory_space<semaphore_mem>>)
    %dma_wait3A_69 = arith.constant 0 : i32
    %dma_wait3A_70 = tpu.memref_slice %arg4[%add3A_64, %dma_wait3A_69] : memref<212992x32xf32, #tpu.memory_space<hbm>> -> memref<832x32xf32, #tpu.memory_space<hbm>>
    %dma_wait3A_71 = arith.constant 0 : i32
    %dma_wait3A_72 = tpu.memref_slice %arg4[%add3A_64, %dma_wait3A_71] : memref<212992x32xf32, #tpu.memory_space<hbm>> -> memref<832x32xf32, #tpu.memory_space<hbm>>
    tpu.wait_dma2 semaphore(%arg9 : memref<!tpu.dma_semaphore, #tpu.memory_space<semaphore_mem>>) src(%arg6 : memref<832x32xf32, #tpu.memory_space<vmem>>) dst(%dma_wait3A_72 : memref<832x32xf32, #tpu.memory_space<hbm>>)
    %dma_start3A_73 = arith.constant 3328 : i32
    %dma_start3A_74 = tpu.memref_slice %arg5[%dma_start3A_73] : memref<6656xi32, #tpu.memory_space<vmem>> -> memref<832xi32, #tpu.memory_space<vmem>>
    %dma_start3A_75 = arith.constant 0 : i32
    %dma_start3A_76 = arith.constant 0 : i32
    %dma_start3A_77 = tpu.memref_slice %arg3[%dma_start3A_75, %dma_start3A_76] : memref<1001472x32xf32, #tpu.memory_space<hbm>> -> memref<1001472x32xf32, #tpu.memory_space<hbm>>
    tpu.enqueue_indirect_dma source(%dma_start3A_77 : memref<1001472x32xf32, #tpu.memory_space<hbm>>) target(%arg6 : memref<832x32xf32, #tpu.memory_space<vmem>>) offsets(%dma_start3A_74 : memref<832xi32, #tpu.memory_space<vmem>>) semaphore(%arg8 : memref<!tpu.dma_semaphore, #tpu.memory_space<semaphore_mem>>)
    %dma_wait3A_78 = arith.constant 2496 : i32
    %dma_wait3A_79 = tpu.memref_slice %arg5[%dma_wait3A_78] : memref<6656xi32, #tpu.memory_space<vmem>> -> memref<832xi32, #tpu.memory_space<vmem>>
    %dma_wait3A_80 = arith.constant 0 : i32
    %dma_wait3A_81 = arith.constant 0 : i32
    %dma_wait3A_82 = tpu.memref_slice %arg3[%dma_wait3A_80, %dma_wait3A_81] : memref<1001472x32xf32, #tpu.memory_space<hbm>> -> memref<1001472x32xf32, #tpu.memory_space<hbm>>
    tpu.wait_indirect_dma semaphore(%arg8 : memref<!tpu.dma_semaphore, #tpu.memory_space<semaphore_mem>>) src(%dma_wait3A_82 : memref<1001472x32xf32, #tpu.memory_space<hbm>>) dst(%arg7 : memref<832x32xf32, #tpu.memory_space<vmem>>)
    %add3A_83 = arith.constant 2496 : i32
    %add3A_84 = arith.addi %mul3A_2, %add3A_83 : i32
    %dma_start3A_85 = arith.constant 0 : i32
    %dma_start3A_86 = tpu.memref_slice %arg4[%add3A_84, %dma_start3A_85] : memref<212992x32xf32, #tpu.memory_space<hbm>> -> memref<832x32xf32, #tpu.memory_space<hbm>>
    %dma_start3A_87 = arith.constant 0 : i32
    %dma_start3A_88 = tpu.memref_slice %arg4[%add3A_84, %dma_start3A_87] : memref<212992x32xf32, #tpu.memory_space<hbm>> -> memref<832x32xf32, #tpu.memory_space<hbm>>
    tpu.enqueue_dma source(%arg7 : memref<832x32xf32, #tpu.memory_space<vmem>>) target(%dma_start3A_88 : memref<832x32xf32, #tpu.memory_space<hbm>>) target_semaphore(%arg9 : memref<!tpu.dma_semaphore, #tpu.memory_space<semaphore_mem>>)
    %dma_wait3A_89 = arith.constant 0 : i32
    %dma_wait3A_90 = tpu.memref_slice %arg4[%add3A_84, %dma_wait3A_89] : memref<212992x32xf32, #tpu.memory_space<hbm>> -> memref<832x32xf32, #tpu.memory_space<hbm>>
    %dma_wait3A_91 = arith.constant 0 : i32
    %dma_wait3A_92 = tpu.memref_slice %arg4[%add3A_84, %dma_wait3A_91] : memref<212992x32xf32, #tpu.memory_space<hbm>> -> memref<832x32xf32, #tpu.memory_space<hbm>>
    tpu.wait_dma2 semaphore(%arg9 : memref<!tpu.dma_semaphore, #tpu.memory_space<semaphore_mem>>) src(%arg7 : memref<832x32xf32, #tpu.memory_space<vmem>>) dst(%dma_wait3A_92 : memref<832x32xf32, #tpu.memory_space<hbm>>)
    %dma_start3A_93 = arith.constant 4160 : i32
    %dma_start3A_94 = tpu.memref_slice %arg5[%dma_start3A_93] : memref<6656xi32, #tpu.memory_space<vmem>> -> memref<832xi32, #tpu.memory_space<vmem>>
    %dma_start3A_95 = arith.constant 0 : i32
    %dma_start3A_96 = arith.constant 0 : i32
    %dma_start3A_97 = tpu.memref_slice %arg3[%dma_start3A_95, %dma_start3A_96] : memref<1001472x32xf32, #tpu.memory_space<hbm>> -> memref<1001472x32xf32, #tpu.memory_space<hbm>>
    tpu.enqueue_indirect_dma source(%dma_start3A_97 : memref<1001472x32xf32, #tpu.memory_space<hbm>>) target(%arg7 : memref<832x32xf32, #tpu.memory_space<vmem>>) offsets(%dma_start3A_94 : memref<832xi32, #tpu.memory_space<vmem>>) semaphore(%arg8 : memref<!tpu.dma_semaphore, #tpu.memory_space<semaphore_mem>>)
    %dma_wait3A_98 = arith.constant 3328 : i32
    %dma_wait3A_99 = tpu.memref_slice %arg5[%dma_wait3A_98] : memref<6656xi32, #tpu.memory_space<vmem>> -> memref<832xi32, #tpu.memory_space<vmem>>
    %dma_wait3A_100 = arith.constant 0 : i32
    %dma_wait3A_101 = arith.constant 0 : i32
    %dma_wait3A_102 = tpu.memref_slice %arg3[%dma_wait3A_100, %dma_wait3A_101] : memref<1001472x32xf32, #tpu.memory_space<hbm>> -> memref<1001472x32xf32, #tpu.memory_space<hbm>>
    tpu.wait_indirect_dma semaphore(%arg8 : memref<!tpu.dma_semaphore, #tpu.memory_space<semaphore_mem>>) src(%dma_wait3A_102 : memref<1001472x32xf32, #tpu.memory_space<hbm>>) dst(%arg6 : memref<832x32xf32, #tpu.memory_space<vmem>>)
    %add3A_103 = arith.constant 3328 : i32
    %add3A_104 = arith.addi %mul3A_2, %add3A_103 : i32
    %dma_start3A_105 = arith.constant 0 : i32
    %dma_start3A_106 = tpu.memref_slice %arg4[%add3A_104, %dma_start3A_105] : memref<212992x32xf32, #tpu.memory_space<hbm>> -> memref<832x32xf32, #tpu.memory_space<hbm>>
    %dma_start3A_107 = arith.constant 0 : i32
    %dma_start3A_108 = tpu.memref_slice %arg4[%add3A_104, %dma_start3A_107] : memref<212992x32xf32, #tpu.memory_space<hbm>> -> memref<832x32xf32, #tpu.memory_space<hbm>>
    tpu.enqueue_dma source(%arg6 : memref<832x32xf32, #tpu.memory_space<vmem>>) target(%dma_start3A_108 : memref<832x32xf32, #tpu.memory_space<hbm>>) target_semaphore(%arg9 : memref<!tpu.dma_semaphore, #tpu.memory_space<semaphore_mem>>)
    %dma_wait3A_109 = arith.constant 0 : i32
    %dma_wait3A_110 = tpu.memref_slice %arg4[%add3A_104, %dma_wait3A_109] : memref<212992x32xf32, #tpu.memory_space<hbm>> -> memref<832x32xf32, #tpu.memory_space<hbm>>
    %dma_wait3A_111 = arith.constant 0 : i32
    %dma_wait3A_112 = tpu.memref_slice %arg4[%add3A_104, %dma_wait3A_111] : memref<212992x32xf32, #tpu.memory_space<hbm>> -> memref<832x32xf32, #tpu.memory_space<hbm>>
    tpu.wait_dma2 semaphore(%arg9 : memref<!tpu.dma_semaphore, #tpu.memory_space<semaphore_mem>>) src(%arg6 : memref<832x32xf32, #tpu.memory_space<vmem>>) dst(%dma_wait3A_112 : memref<832x32xf32, #tpu.memory_space<hbm>>)
    %dma_start3A_113 = arith.constant 4992 : i32
    %dma_start3A_114 = tpu.memref_slice %arg5[%dma_start3A_113] : memref<6656xi32, #tpu.memory_space<vmem>> -> memref<832xi32, #tpu.memory_space<vmem>>
    %dma_start3A_115 = arith.constant 0 : i32
    %dma_start3A_116 = arith.constant 0 : i32
    %dma_start3A_117 = tpu.memref_slice %arg3[%dma_start3A_115, %dma_start3A_116] : memref<1001472x32xf32, #tpu.memory_space<hbm>> -> memref<1001472x32xf32, #tpu.memory_space<hbm>>
    tpu.enqueue_indirect_dma source(%dma_start3A_117 : memref<1001472x32xf32, #tpu.memory_space<hbm>>) target(%arg6 : memref<832x32xf32, #tpu.memory_space<vmem>>) offsets(%dma_start3A_114 : memref<832xi32, #tpu.memory_space<vmem>>) semaphore(%arg8 : memref<!tpu.dma_semaphore, #tpu.memory_space<semaphore_mem>>)
    %dma_wait3A_118 = arith.constant 4160 : i32
    %dma_wait3A_119 = tpu.memref_slice %arg5[%dma_wait3A_118] : memref<6656xi32, #tpu.memory_space<vmem>> -> memref<832xi32, #tpu.memory_space<vmem>>
    %dma_wait3A_120 = arith.constant 0 : i32
    %dma_wait3A_121 = arith.constant 0 : i32
    %dma_wait3A_122 = tpu.memref_slice %arg3[%dma_wait3A_120, %dma_wait3A_121] : memref<1001472x32xf32, #tpu.memory_space<hbm>> -> memref<1001472x32xf32, #tpu.memory_space<hbm>>
    tpu.wait_indirect_dma semaphore(%arg8 : memref<!tpu.dma_semaphore, #tpu.memory_space<semaphore_mem>>) src(%dma_wait3A_122 : memref<1001472x32xf32, #tpu.memory_space<hbm>>) dst(%arg7 : memref<832x32xf32, #tpu.memory_space<vmem>>)
    %add3A_123 = arith.constant 4160 : i32
    %add3A_124 = arith.addi %mul3A_2, %add3A_123 : i32
    %dma_start3A_125 = arith.constant 0 : i32
    %dma_start3A_126 = tpu.memref_slice %arg4[%add3A_124, %dma_start3A_125] : memref<212992x32xf32, #tpu.memory_space<hbm>> -> memref<832x32xf32, #tpu.memory_space<hbm>>
    %dma_start3A_127 = arith.constant 0 : i32
    %dma_start3A_128 = tpu.memref_slice %arg4[%add3A_124, %dma_start3A_127] : memref<212992x32xf32, #tpu.memory_space<hbm>> -> memref<832x32xf32, #tpu.memory_space<hbm>>
    tpu.enqueue_dma source(%arg7 : memref<832x32xf32, #tpu.memory_space<vmem>>) target(%dma_start3A_128 : memref<832x32xf32, #tpu.memory_space<hbm>>) target_semaphore(%arg9 : memref<!tpu.dma_semaphore, #tpu.memory_space<semaphore_mem>>)
    %dma_wait3A_129 = arith.constant 0 : i32
    %dma_wait3A_130 = tpu.memref_slice %arg4[%add3A_124, %dma_wait3A_129] : memref<212992x32xf32, #tpu.memory_space<hbm>> -> memref<832x32xf32, #tpu.memory_space<hbm>>
    %dma_wait3A_131 = arith.constant 0 : i32
    %dma_wait3A_132 = tpu.memref_slice %arg4[%add3A_124, %dma_wait3A_131] : memref<212992x32xf32, #tpu.memory_space<hbm>> -> memref<832x32xf32, #tpu.memory_space<hbm>>
    tpu.wait_dma2 semaphore(%arg9 : memref<!tpu.dma_semaphore, #tpu.memory_space<semaphore_mem>>) src(%arg7 : memref<832x32xf32, #tpu.memory_space<vmem>>) dst(%dma_wait3A_132 : memref<832x32xf32, #tpu.memory_space<hbm>>)
    %dma_start3A_133 = arith.constant 5824 : i32
    %dma_start3A_134 = tpu.memref_slice %arg5[%dma_start3A_133] : memref<6656xi32, #tpu.memory_space<vmem>> -> memref<832xi32, #tpu.memory_space<vmem>>
    %dma_start3A_135 = arith.constant 0 : i32
    %dma_start3A_136 = arith.constant 0 : i32
    %dma_start3A_137 = tpu.memref_slice %arg3[%dma_start3A_135, %dma_start3A_136] : memref<1001472x32xf32, #tpu.memory_space<hbm>> -> memref<1001472x32xf32, #tpu.memory_space<hbm>>
    tpu.enqueue_indirect_dma source(%dma_start3A_137 : memref<1001472x32xf32, #tpu.memory_space<hbm>>) target(%arg7 : memref<832x32xf32, #tpu.memory_space<vmem>>) offsets(%dma_start3A_134 : memref<832xi32, #tpu.memory_space<vmem>>) semaphore(%arg8 : memref<!tpu.dma_semaphore, #tpu.memory_space<semaphore_mem>>)
    %dma_wait3A_138 = arith.constant 4992 : i32
    %dma_wait3A_139 = tpu.memref_slice %arg5[%dma_wait3A_138] : memref<6656xi32, #tpu.memory_space<vmem>> -> memref<832xi32, #tpu.memory_space<vmem>>
    %dma_wait3A_140 = arith.constant 0 : i32
    %dma_wait3A_141 = arith.constant 0 : i32
    %dma_wait3A_142 = tpu.memref_slice %arg3[%dma_wait3A_140, %dma_wait3A_141] : memref<1001472x32xf32, #tpu.memory_space<hbm>> -> memref<1001472x32xf32, #tpu.memory_space<hbm>>
    tpu.wait_indirect_dma semaphore(%arg8 : memref<!tpu.dma_semaphore, #tpu.memory_space<semaphore_mem>>) src(%dma_wait3A_142 : memref<1001472x32xf32, #tpu.memory_space<hbm>>) dst(%arg6 : memref<832x32xf32, #tpu.memory_space<vmem>>)
    %add3A_143 = arith.constant 4992 : i32
    %add3A_144 = arith.addi %mul3A_2, %add3A_143 : i32
    %dma_start3A_145 = arith.constant 0 : i32
    %dma_start3A_146 = tpu.memref_slice %arg4[%add3A_144, %dma_start3A_145] : memref<212992x32xf32, #tpu.memory_space<hbm>> -> memref<832x32xf32, #tpu.memory_space<hbm>>
    %dma_start3A_147 = arith.constant 0 : i32
    %dma_start3A_148 = tpu.memref_slice %arg4[%add3A_144, %dma_start3A_147] : memref<212992x32xf32, #tpu.memory_space<hbm>> -> memref<832x32xf32, #tpu.memory_space<hbm>>
    tpu.enqueue_dma source(%arg6 : memref<832x32xf32, #tpu.memory_space<vmem>>) target(%dma_start3A_148 : memref<832x32xf32, #tpu.memory_space<hbm>>) target_semaphore(%arg9 : memref<!tpu.dma_semaphore, #tpu.memory_space<semaphore_mem>>)
    %dma_wait3A_149 = arith.constant 5824 : i32
    %dma_wait3A_150 = tpu.memref_slice %arg5[%dma_wait3A_149] : memref<6656xi32, #tpu.memory_space<vmem>> -> memref<832xi32, #tpu.memory_space<vmem>>
    %dma_wait3A_151 = arith.constant 0 : i32
    %dma_wait3A_152 = arith.constant 0 : i32
    %dma_wait3A_153 = tpu.memref_slice %arg3[%dma_wait3A_151, %dma_wait3A_152] : memref<1001472x32xf32, #tpu.memory_space<hbm>> -> memref<1001472x32xf32, #tpu.memory_space<hbm>>
    tpu.wait_indirect_dma semaphore(%arg8 : memref<!tpu.dma_semaphore, #tpu.memory_space<semaphore_mem>>) src(%dma_wait3A_153 : memref<1001472x32xf32, #tpu.memory_space<hbm>>) dst(%arg7 : memref<832x32xf32, #tpu.memory_space<vmem>>)
    %add3A_154 = arith.constant 5824 : i32
    %add3A_155 = arith.addi %mul3A_2, %add3A_154 : i32
    %dma_start3A_156 = arith.constant 0 : i32
    %dma_start3A_157 = tpu.memref_slice %arg4[%add3A_155, %dma_start3A_156] : memref<212992x32xf32, #tpu.memory_space<hbm>> -> memref<832x32xf32, #tpu.memory_space<hbm>>
    %dma_start3A_158 = arith.constant 0 : i32
    %dma_start3A_159 = tpu.memref_slice %arg4[%add3A_155, %dma_start3A_158] : memref<212992x32xf32, #tpu.memory_space<hbm>> -> memref<832x32xf32, #tpu.memory_space<hbm>>
    tpu.enqueue_dma source(%arg7 : memref<832x32xf32, #tpu.memory_space<vmem>>) target(%dma_start3A_159 : memref<832x32xf32, #tpu.memory_space<hbm>>) target_semaphore(%arg9 : memref<!tpu.dma_semaphore, #tpu.memory_space<semaphore_mem>>)
    %dma_wait3A_160 = arith.constant 0 : i32
    %dma_wait3A_161 = tpu.memref_slice %arg4[%add3A_155, %dma_wait3A_160] : memref<212992x32xf32, #tpu.memory_space<hbm>> -> memref<832x32xf32, #tpu.memory_space<hbm>>
    %dma_wait3A_162 = arith.constant 0 : i32
    %dma_wait3A_163 = tpu.memref_slice %arg4[%add3A_155, %dma_wait3A_162] : memref<212992x32xf32, #tpu.memory_space<hbm>> -> memref<832x32xf32, #tpu.memory_space<hbm>>
    tpu.wait_dma2 semaphore(%arg9 : memref<!tpu.dma_semaphore, #tpu.memory_space<semaphore_mem>>) src(%arg7 : memref<832x32xf32, #tpu.memory_space<vmem>>) dst(%dma_wait3A_163 : memref<832x32xf32, #tpu.memory_space<hbm>>)
    return
  }
}

#map = affine_map<(d0, d1) -> (0)>
#map1 = affine_map<(d0, d1) -> (0, 0)>
module attributes {stable_mosaic.version = 14 : i64} {
  func.func @_sc_gather(%arg0: i32, %arg1: i32, %arg2: memref<425984xi32, #tpu.memory_space<hbm>>, %arg3: memref<1001472x32xf32, #tpu.memory_space<hbm>>, %arg4: memref<212992x32xf32, #tpu.memory_space<hbm>>, %arg5: memref<6656xi32, #tpu.memory_space<vmem>>, %arg6: memref<832x32xf32, #tpu.memory_space<vmem>>, %arg7: memref<832x32xf32, #tpu.memory_space<vmem>>, %arg8: memref<!tpu.dma_semaphore, #tpu.memory_space<semaphore_mem>>, %arg9: memref<!tpu.dma_semaphore, #tpu.memory_space<semaphore_mem>>) attributes {dimension_semantics = [#tpu.dimension_semantics<core_parallel>, #tpu.dimension_semantics<subcore_parallel>], iteration_bounds = array<i64: 2, 16>, scalar_prefetch = 0 : i64, scratch_operands = 5 : i64, tpu.core_type = #tpu.core_type<sc_vector_subcore>, window_params = [{transform_indices = #map}, {transform_indices = #map1}, {transform_indices = #map1}]} {
    %mul3A = arith.constant 2 : i32
    %mul3A_0 = arith.muli %arg1, %mul3A : i32
    %add3A = arith.addi %mul3A_0, %arg0 : i32
    %mul3A_1 = arith.constant 6656 : i32
    %mul3A_2 = arith.muli %add3A, %mul3A_1 : i32
    %add3A_3 = arith.constant 212992 : i32
    %add3A_4 = arith.addi %add3A_3, %mul3A_2 : i32
    "tpu.region"() ({
      %run_scoped3A = tpu.sem_alloc : memref<!tpu.dma_semaphore, #tpu.memory_space<semaphore_mem>>
      %dma_start3A_164 = tpu.memref_slice %arg2[%add3A_4] : memref<425984xi32, #tpu.memory_space<hbm>> -> memref<6656xi32, #tpu.memory_space<hbm>>
      %dma_start3A_165 = tpu.memref_slice %arg2[%add3A_4] : memref<425984xi32, #tpu.memory_space<hbm>> -> memref<6656xi32, #tpu.memory_space<hbm>>
      tpu.enqueue_dma source(%dma_start3A_165 : memref<6656xi32, #tpu.memory_space<hbm>>) target(%arg5 : memref<6656xi32, #tpu.memory_space<vmem>>) target_semaphore(%run_scoped3A : memref<!tpu.dma_semaphore, #tpu.memory_space<semaphore_mem>>)
      %dma_wait3A_166 = tpu.memref_slice %arg2[%add3A_4] : memref<425984xi32, #tpu.memory_space<hbm>> -> memref<6656xi32, #tpu.memory_space<hbm>>
      %dma_wait3A_167 = tpu.memref_slice %arg2[%add3A_4] : memref<425984xi32, #tpu.memory_space<hbm>> -> memref<6656xi32, #tpu.memory_space<hbm>>
      tpu.wait_dma2 semaphore(%run_scoped3A : memref<!tpu.dma_semaphore, #tpu.memory_space<semaphore_mem>>) src(%dma_wait3A_167 : memref<6656xi32, #tpu.memory_space<hbm>>) dst(%arg5 : memref<6656xi32, #tpu.memory_space<vmem>>)
      tpu.yield
    }) : () -> ()
    %scan3A = arith.constant 0 : i32
    %scan3A_5 = arith.constant 0 : i32
    %scan3A_6 = arith.constant 416 : i32
    %scan3A_7 = arith.addi %scan3A_5, %scan3A_6 : i32
    %scan3A_8 = arith.constant 1 : i32
    scf.for %scan3A_164 = %scan3A_5 to %scan3A_7 step %scan3A_8  : i32 {
      %mul3A_165 = arith.constant 16 : i32
      %mul3A_166 = arith.muli %scan3A_164, %mul3A_165 : i32
      %get3A = arith.index_cast %mul3A_166 : i32 to index
      %get3A_167 = tpu.vector_load %arg5[%get3A] {strides = array<i32>} : memref<6656xi32, #tpu.memory_space<vmem>>, vector<16xi32>,
      %get3A_168 = vector.shape_cast %get3A_167 : vector<16xi32> to vector<16xi32>
      %not3A = arith.constant 2047 : i32
      %not3A_169 = arith.constant -1 : i32
      %not3A_170 = arith.xori %not3A, %not3A_169 : i32
      %and3A = vector.broadcast %not3A_170 : i32 to vector<16xi32>
      %and3A_171 = arith.andi %get3A_168, %and3A : vector<16xi32>
      %and3A_172 = arith.constant 511 : i32
      %and3A_173 = vector.broadcast %and3A_172 : i32 to vector<16xi32>
      %and3A_174 = arith.andi %get3A_168, %and3A_173 : vector<16xi32>
      %shift_left3A = arith.constant 2 : i32
      %shift_left3A_175 = vector.broadcast %shift_left3A : i32 to vector<16xi32>
      %shift_left3A_176 = arith.shli %and3A_174, %shift_left3A_175 : vector<16xi32>
      %or3A = arith.ori %and3A_171, %shift_left3A_176 : vector<16xi32>
      %shift_right_arithmetic3A = arith.constant 9 : i32
      %shift_right_arithmetic3A_177 = vector.broadcast %shift_right_arithmetic3A : i32 to vector<16xi32>
      %shift_right_arithmetic3A_178 = arith.shrsi %get3A_168, %shift_right_arithmetic3A_177 : vector<16xi32>
      %and3A_179 = arith.constant 3 : i32
      %and3A_180 = vector.broadcast %and3A_179 : i32 to vector<16xi32>
      %and3A_181 = arith.andi %shift_right_arithmetic3A_178, %and3A_180 : vector<16xi32>
      %or3A_182 = arith.ori %or3A, %and3A_181 : vector<16xi32>
      %mul3A_183 = arith.constant 16 : i32
      %mul3A_184 = arith.muli %scan3A_164, %mul3A_183 : i32
      %swap3A = arith.index_cast %mul3A_184 : i32 to index
      %swap3A_185 = tpu.vector_load %arg5[%swap3A] {strides = array<i32>} : memref<6656xi32, #tpu.memory_space<vmem>>, vector<16xi32>,
      %swap3A_186 = vector.shape_cast %swap3A_185 : vector<16xi32> to vector<16xi32>
      %swap3A_187 = vector.shape_cast %or3A_182 : vector<16xi32> to vector<16xi32>
      tpu.vector_store %arg5[%swap3A], %swap3A_187 {strides = array<i32>} : memref<6656xi32, #tpu.memory_space<vmem>>, vector<16xi32>,
    }
    %scan3A_9 = arith.constant 416 : i32
    %dma_start3A = arith.constant 0 : i32
    %dma_start3A_10 = tpu.memref_slice %arg5[%dma_start3A] : memref<6656xi32, #tpu.memory_space<vmem>> -> memref<832xi32, #tpu.memory_space<vmem>>
    %dma_start3A_11 = arith.constant 0 : i32
    %dma_start3A_12 = arith.constant 0 : i32
    %dma_start3A_13 = tpu.memref_slice %arg3[%dma_start3A_11, %dma_start3A_12] : memref<1001472x32xf32, #tpu.memory_space<hbm>> -> memref<1001472x32xf32, #tpu.memory_space<hbm>>
    tpu.enqueue_indirect_dma source(%dma_start3A_13 : memref<1001472x32xf32, #tpu.memory_space<hbm>>) target(%arg6 : memref<832x32xf32, #tpu.memory_space<vmem>>) offsets(%dma_start3A_10 : memref<832xi32, #tpu.memory_space<vmem>>) semaphore(%arg8 : memref<!tpu.dma_semaphore, #tpu.memory_space<semaphore_mem>>)
    %dma_start3A_14 = arith.constant 832 : i32
    %dma_start3A_15 = tpu.memref_slice %arg5[%dma_start3A_14] : memref<6656xi32, #tpu.memory_space<vmem>> -> memref<832xi32, #tpu.memory_space<vmem>>
    %dma_start3A_16 = arith.constant 0 : i32
    %dma_start3A_17 = arith.constant 0 : i32
    %dma_start3A_18 = tpu.memref_slice %arg3[%dma_start3A_16, %dma_start3A_17] : memref<1001472x32xf32, #tpu.memory_space<hbm>> -> memref<1001472x32xf32, #tpu.memory_space<hbm>>
    tpu.enqueue_indirect_dma source(%dma_start3A_18 : memref<1001472x32xf32, #tpu.memory_space<hbm>>) target(%arg7 : memref<832x32xf32, #tpu.memory_space<vmem>>) offsets(%dma_start3A_15 : memref<832xi32, #tpu.memory_space<vmem>>) semaphore(%arg8 : memref<!tpu.dma_semaphore, #tpu.memory_space<semaphore_mem>>)
    %dma_wait3A = arith.constant 0 : i32
    %dma_wait3A_19 = tpu.memref_slice %arg5[%dma_wait3A] : memref<6656xi32, #tpu.memory_space<vmem>> -> memref<832xi32, #tpu.memory_space<vmem>>
    %dma_wait3A_20 = arith.constant 0 : i32
    %dma_wait3A_21 = arith.constant 0 : i32
    %dma_wait3A_22 = tpu.memref_slice %arg3[%dma_wait3A_20, %dma_wait3A_21] : memref<1001472x32xf32, #tpu.memory_space<hbm>> -> memref<1001472x32xf32, #tpu.memory_space<hbm>>
    tpu.wait_indirect_dma semaphore(%arg8 : memref<!tpu.dma_semaphore, #tpu.memory_space<semaphore_mem>>) src(%dma_wait3A_22 : memref<1001472x32xf32, #tpu.memory_space<hbm>>) dst(%arg6 : memref<832x32xf32, #tpu.memory_space<vmem>>)
    %add3A_23 = arith.constant 0 : i32
    %add3A_24 = arith.addi %mul3A_2, %add3A_23 : i32
    %dma_start3A_25 = arith.constant 0 : i32
    %dma_start3A_26 = tpu.memref_slice %arg4[%add3A_24, %dma_start3A_25] : memref<212992x32xf32, #tpu.memory_space<hbm>> -> memref<832x32xf32, #tpu.memory_space<hbm>>
    %dma_start3A_27 = arith.constant 0 : i32
    %dma_start3A_28 = tpu.memref_slice %arg4[%add3A_24, %dma_start3A_27] : memref<212992x32xf32, #tpu.memory_space<hbm>> -> memref<832x32xf32, #tpu.memory_space<hbm>>
    tpu.enqueue_dma source(%arg6 : memref<832x32xf32, #tpu.memory_space<vmem>>) target(%dma_start3A_28 : memref<832x32xf32, #tpu.memory_space<hbm>>) target_semaphore(%arg9 : memref<!tpu.dma_semaphore, #tpu.memory_space<semaphore_mem>>)
    %dma_wait3A_29 = arith.constant 0 : i32
    %dma_wait3A_30 = tpu.memref_slice %arg4[%add3A_24, %dma_wait3A_29] : memref<212992x32xf32, #tpu.memory_space<hbm>> -> memref<832x32xf32, #tpu.memory_space<hbm>>
    %dma_wait3A_31 = arith.constant 0 : i32
    %dma_wait3A_32 = tpu.memref_slice %arg4[%add3A_24, %dma_wait3A_31] : memref<212992x32xf32, #tpu.memory_space<hbm>> -> memref<832x32xf32, #tpu.memory_space<hbm>>
    tpu.wait_dma2 semaphore(%arg9 : memref<!tpu.dma_semaphore, #tpu.memory_space<semaphore_mem>>) src(%arg6 : memref<832x32xf32, #tpu.memory_space<vmem>>) dst(%dma_wait3A_32 : memref<832x32xf32, #tpu.memory_space<hbm>>)
    %dma_start3A_33 = arith.constant 1664 : i32
    %dma_start3A_34 = tpu.memref_slice %arg5[%dma_start3A_33] : memref<6656xi32, #tpu.memory_space<vmem>> -> memref<832xi32, #tpu.memory_space<vmem>>
    %dma_start3A_35 = arith.constant 0 : i32
    %dma_start3A_36 = arith.constant 0 : i32
    %dma_start3A_37 = tpu.memref_slice %arg3[%dma_start3A_35, %dma_start3A_36] : memref<1001472x32xf32, #tpu.memory_space<hbm>> -> memref<1001472x32xf32, #tpu.memory_space<hbm>>
    tpu.enqueue_indirect_dma source(%dma_start3A_37 : memref<1001472x32xf32, #tpu.memory_space<hbm>>) target(%arg6 : memref<832x32xf32, #tpu.memory_space<vmem>>) offsets(%dma_start3A_34 : memref<832xi32, #tpu.memory_space<vmem>>) semaphore(%arg8 : memref<!tpu.dma_semaphore, #tpu.memory_space<semaphore_mem>>)
    %dma_wait3A_38 = arith.constant 832 : i32
    %dma_wait3A_39 = tpu.memref_slice %arg5[%dma_wait3A_38] : memref<6656xi32, #tpu.memory_space<vmem>> -> memref<832xi32, #tpu.memory_space<vmem>>
    %dma_wait3A_40 = arith.constant 0 : i32
    %dma_wait3A_41 = arith.constant 0 : i32
    %dma_wait3A_42 = tpu.memref_slice %arg3[%dma_wait3A_40, %dma_wait3A_41] : memref<1001472x32xf32, #tpu.memory_space<hbm>> -> memref<1001472x32xf32, #tpu.memory_space<hbm>>
    tpu.wait_indirect_dma semaphore(%arg8 : memref<!tpu.dma_semaphore, #tpu.memory_space<semaphore_mem>>) src(%dma_wait3A_42 : memref<1001472x32xf32, #tpu.memory_space<hbm>>) dst(%arg7 : memref<832x32xf32, #tpu.memory_space<vmem>>)
    %add3A_43 = arith.constant 832 : i32
    %add3A_44 = arith.addi %mul3A_2, %add3A_43 : i32
    %dma_start3A_45 = arith.constant 0 : i32
    %dma_start3A_46 = tpu.memref_slice %arg4[%add3A_44, %dma_start3A_45] : memref<212992x32xf32, #tpu.memory_space<hbm>> -> memref<832x32xf32, #tpu.memory_space<hbm>>
    %dma_start3A_47 = arith.constant 0 : i32
    %dma_start3A_48 = tpu.memref_slice %arg4[%add3A_44, %dma_start3A_47] : memref<212992x32xf32, #tpu.memory_space<hbm>> -> memref<832x32xf32, #tpu.memory_space<hbm>>
    tpu.enqueue_dma source(%arg7 : memref<832x32xf32, #tpu.memory_space<vmem>>) target(%dma_start3A_48 : memref<832x32xf32, #tpu.memory_space<hbm>>) target_semaphore(%arg9 : memref<!tpu.dma_semaphore, #tpu.memory_space<semaphore_mem>>)
    %dma_wait3A_49 = arith.constant 0 : i32
    %dma_wait3A_50 = tpu.memref_slice %arg4[%add3A_44, %dma_wait3A_49] : memref<212992x32xf32, #tpu.memory_space<hbm>> -> memref<832x32xf32, #tpu.memory_space<hbm>>
    %dma_wait3A_51 = arith.constant 0 : i32
    %dma_wait3A_52 = tpu.memref_slice %arg4[%add3A_44, %dma_wait3A_51] : memref<212992x32xf32, #tpu.memory_space<hbm>> -> memref<832x32xf32, #tpu.memory_space<hbm>>
    tpu.wait_dma2 semaphore(%arg9 : memref<!tpu.dma_semaphore, #tpu.memory_space<semaphore_mem>>) src(%arg7 : memref<832x32xf32, #tpu.memory_space<vmem>>) dst(%dma_wait3A_52 : memref<832x32xf32, #tpu.memory_space<hbm>>)
    %dma_start3A_53 = arith.constant 2496 : i32
    %dma_start3A_54 = tpu.memref_slice %arg5[%dma_start3A_53] : memref<6656xi32, #tpu.memory_space<vmem>> -> memref<832xi32, #tpu.memory_space<vmem>>
    %dma_start3A_55 = arith.constant 0 : i32
    %dma_start3A_56 = arith.constant 0 : i32
    %dma_start3A_57 = tpu.memref_slice %arg3[%dma_start3A_55, %dma_start3A_56] : memref<1001472x32xf32, #tpu.memory_space<hbm>> -> memref<1001472x32xf32, #tpu.memory_space<hbm>>
    tpu.enqueue_indirect_dma source(%dma_start3A_57 : memref<1001472x32xf32, #tpu.memory_space<hbm>>) target(%arg7 : memref<832x32xf32, #tpu.memory_space<vmem>>) offsets(%dma_start3A_54 : memref<832xi32, #tpu.memory_space<vmem>>) semaphore(%arg8 : memref<!tpu.dma_semaphore, #tpu.memory_space<semaphore_mem>>)
    %dma_wait3A_58 = arith.constant 1664 : i32
    %dma_wait3A_59 = tpu.memref_slice %arg5[%dma_wait3A_58] : memref<6656xi32, #tpu.memory_space<vmem>> -> memref<832xi32, #tpu.memory_space<vmem>>
    %dma_wait3A_60 = arith.constant 0 : i32
    %dma_wait3A_61 = arith.constant 0 : i32
    %dma_wait3A_62 = tpu.memref_slice %arg3[%dma_wait3A_60, %dma_wait3A_61] : memref<1001472x32xf32, #tpu.memory_space<hbm>> -> memref<1001472x32xf32, #tpu.memory_space<hbm>>
    tpu.wait_indirect_dma semaphore(%arg8 : memref<!tpu.dma_semaphore, #tpu.memory_space<semaphore_mem>>) src(%dma_wait3A_62 : memref<1001472x32xf32, #tpu.memory_space<hbm>>) dst(%arg6 : memref<832x32xf32, #tpu.memory_space<vmem>>)
    %add3A_63 = arith.constant 1664 : i32
    %add3A_64 = arith.addi %mul3A_2, %add3A_63 : i32
    %dma_start3A_65 = arith.constant 0 : i32
    %dma_start3A_66 = tpu.memref_slice %arg4[%add3A_64, %dma_start3A_65] : memref<212992x32xf32, #tpu.memory_space<hbm>> -> memref<832x32xf32, #tpu.memory_space<hbm>>
    %dma_start3A_67 = arith.constant 0 : i32
    %dma_start3A_68 = tpu.memref_slice %arg4[%add3A_64, %dma_start3A_67] : memref<212992x32xf32, #tpu.memory_space<hbm>> -> memref<832x32xf32, #tpu.memory_space<hbm>>
    tpu.enqueue_dma source(%arg6 : memref<832x32xf32, #tpu.memory_space<vmem>>) target(%dma_start3A_68 : memref<832x32xf32, #tpu.memory_space<hbm>>) target_semaphore(%arg9 : memref<!tpu.dma_semaphore, #tpu.memory_space<semaphore_mem>>)
    %dma_wait3A_69 = arith.constant 0 : i32
    %dma_wait3A_70 = tpu.memref_slice %arg4[%add3A_64, %dma_wait3A_69] : memref<212992x32xf32, #tpu.memory_space<hbm>> -> memref<832x32xf32, #tpu.memory_space<hbm>>
    %dma_wait3A_71 = arith.constant 0 : i32
    %dma_wait3A_72 = tpu.memref_slice %arg4[%add3A_64, %dma_wait3A_71] : memref<212992x32xf32, #tpu.memory_space<hbm>> -> memref<832x32xf32, #tpu.memory_space<hbm>>
    tpu.wait_dma2 semaphore(%arg9 : memref<!tpu.dma_semaphore, #tpu.memory_space<semaphore_mem>>) src(%arg6 : memref<832x32xf32, #tpu.memory_space<vmem>>) dst(%dma_wait3A_72 : memref<832x32xf32, #tpu.memory_space<hbm>>)
    %dma_start3A_73 = arith.constant 3328 : i32
    %dma_start3A_74 = tpu.memref_slice %arg5[%dma_start3A_73] : memref<6656xi32, #tpu.memory_space<vmem>> -> memref<832xi32, #tpu.memory_space<vmem>>
    %dma_start3A_75 = arith.constant 0 : i32
    %dma_start3A_76 = arith.constant 0 : i32
    %dma_start3A_77 = tpu.memref_slice %arg3[%dma_start3A_75, %dma_start3A_76] : memref<1001472x32xf32, #tpu.memory_space<hbm>> -> memref<1001472x32xf32, #tpu.memory_space<hbm>>
    tpu.enqueue_indirect_dma source(%dma_start3A_77 : memref<1001472x32xf32, #tpu.memory_space<hbm>>) target(%arg6 : memref<832x32xf32, #tpu.memory_space<vmem>>) offsets(%dma_start3A_74 : memref<832xi32, #tpu.memory_space<vmem>>) semaphore(%arg8 : memref<!tpu.dma_semaphore, #tpu.memory_space<semaphore_mem>>)
    %dma_wait3A_78 = arith.constant 2496 : i32
    %dma_wait3A_79 = tpu.memref_slice %arg5[%dma_wait3A_78] : memref<6656xi32, #tpu.memory_space<vmem>> -> memref<832xi32, #tpu.memory_space<vmem>>
    %dma_wait3A_80 = arith.constant 0 : i32
    %dma_wait3A_81 = arith.constant 0 : i32
    %dma_wait3A_82 = tpu.memref_slice %arg3[%dma_wait3A_80, %dma_wait3A_81] : memref<1001472x32xf32, #tpu.memory_space<hbm>> -> memref<1001472x32xf32, #tpu.memory_space<hbm>>
    tpu.wait_indirect_dma semaphore(%arg8 : memref<!tpu.dma_semaphore, #tpu.memory_space<semaphore_mem>>) src(%dma_wait3A_82 : memref<1001472x32xf32, #tpu.memory_space<hbm>>) dst(%arg7 : memref<832x32xf32, #tpu.memory_space<vmem>>)
    %add3A_83 = arith.constant 2496 : i32
    %add3A_84 = arith.addi %mul3A_2, %add3A_83 : i32
    %dma_start3A_85 = arith.constant 0 : i32
    %dma_start3A_86 = tpu.memref_slice %arg4[%add3A_84, %dma_start3A_85] : memref<212992x32xf32, #tpu.memory_space<hbm>> -> memref<832x32xf32, #tpu.memory_space<hbm>>
    %dma_start3A_87 = arith.constant 0 : i32
    %dma_start3A_88 = tpu.memref_slice %arg4[%add3A_84, %dma_start3A_87] : memref<212992x32xf32, #tpu.memory_space<hbm>> -> memref<832x32xf32, #tpu.memory_space<hbm>>
    tpu.enqueue_dma source(%arg7 : memref<832x32xf32, #tpu.memory_space<vmem>>) target(%dma_start3A_88 : memref<832x32xf32, #tpu.memory_space<hbm>>) target_semaphore(%arg9 : memref<!tpu.dma_semaphore, #tpu.memory_space<semaphore_mem>>)
    %dma_wait3A_89 = arith.constant 0 : i32
    %dma_wait3A_90 = tpu.memref_slice %arg4[%add3A_84, %dma_wait3A_89] : memref<212992x32xf32, #tpu.memory_space<hbm>> -> memref<832x32xf32, #tpu.memory_space<hbm>>
    %dma_wait3A_91 = arith.constant 0 : i32
    %dma_wait3A_92 = tpu.memref_slice %arg4[%add3A_84, %dma_wait3A_91] : memref<212992x32xf32, #tpu.memory_space<hbm>> -> memref<832x32xf32, #tpu.memory_space<hbm>>
    tpu.wait_dma2 semaphore(%arg9 : memref<!tpu.dma_semaphore, #tpu.memory_space<semaphore_mem>>) src(%arg7 : memref<832x32xf32, #tpu.memory_space<vmem>>) dst(%dma_wait3A_92 : memref<832x32xf32, #tpu.memory_space<hbm>>)
    %dma_start3A_93 = arith.constant 4160 : i32
    %dma_start3A_94 = tpu.memref_slice %arg5[%dma_start3A_93] : memref<6656xi32, #tpu.memory_space<vmem>> -> memref<832xi32, #tpu.memory_space<vmem>>
    %dma_start3A_95 = arith.constant 0 : i32
    %dma_start3A_96 = arith.constant 0 : i32
    %dma_start3A_97 = tpu.memref_slice %arg3[%dma_start3A_95, %dma_start3A_96] : memref<1001472x32xf32, #tpu.memory_space<hbm>> -> memref<1001472x32xf32, #tpu.memory_space<hbm>>
    tpu.enqueue_indirect_dma source(%dma_start3A_97 : memref<1001472x32xf32, #tpu.memory_space<hbm>>) target(%arg7 : memref<832x32xf32, #tpu.memory_space<vmem>>) offsets(%dma_start3A_94 : memref<832xi32, #tpu.memory_space<vmem>>) semaphore(%arg8 : memref<!tpu.dma_semaphore, #tpu.memory_space<semaphore_mem>>)
    %dma_wait3A_98 = arith.constant 3328 : i32
    %dma_wait3A_99 = tpu.memref_slice %arg5[%dma_wait3A_98] : memref<6656xi32, #tpu.memory_space<vmem>> -> memref<832xi32, #tpu.memory_space<vmem>>
    %dma_wait3A_100 = arith.constant 0 : i32
    %dma_wait3A_101 = arith.constant 0 : i32
    %dma_wait3A_102 = tpu.memref_slice %arg3[%dma_wait3A_100, %dma_wait3A_101] : memref<1001472x32xf32, #tpu.memory_space<hbm>> -> memref<1001472x32xf32, #tpu.memory_space<hbm>>
    tpu.wait_indirect_dma semaphore(%arg8 : memref<!tpu.dma_semaphore, #tpu.memory_space<semaphore_mem>>) src(%dma_wait3A_102 : memref<1001472x32xf32, #tpu.memory_space<hbm>>) dst(%arg6 : memref<832x32xf32, #tpu.memory_space<vmem>>)
    %add3A_103 = arith.constant 3328 : i32
    %add3A_104 = arith.addi %mul3A_2, %add3A_103 : i32
    %dma_start3A_105 = arith.constant 0 : i32
    %dma_start3A_106 = tpu.memref_slice %arg4[%add3A_104, %dma_start3A_105] : memref<212992x32xf32, #tpu.memory_space<hbm>> -> memref<832x32xf32, #tpu.memory_space<hbm>>
    %dma_start3A_107 = arith.constant 0 : i32
    %dma_start3A_108 = tpu.memref_slice %arg4[%add3A_104, %dma_start3A_107] : memref<212992x32xf32, #tpu.memory_space<hbm>> -> memref<832x32xf32, #tpu.memory_space<hbm>>
    tpu.enqueue_dma source(%arg6 : memref<832x32xf32, #tpu.memory_space<vmem>>) target(%dma_start3A_108 : memref<832x32xf32, #tpu.memory_space<hbm>>) target_semaphore(%arg9 : memref<!tpu.dma_semaphore, #tpu.memory_space<semaphore_mem>>)
    %dma_wait3A_109 = arith.constant 0 : i32
    %dma_wait3A_110 = tpu.memref_slice %arg4[%add3A_104, %dma_wait3A_109] : memref<212992x32xf32, #tpu.memory_space<hbm>> -> memref<832x32xf32, #tpu.memory_space<hbm>>
    %dma_wait3A_111 = arith.constant 0 : i32
    %dma_wait3A_112 = tpu.memref_slice %arg4[%add3A_104, %dma_wait3A_111] : memref<212992x32xf32, #tpu.memory_space<hbm>> -> memref<832x32xf32, #tpu.memory_space<hbm>>
    tpu.wait_dma2 semaphore(%arg9 : memref<!tpu.dma_semaphore, #tpu.memory_space<semaphore_mem>>) src(%arg6 : memref<832x32xf32, #tpu.memory_space<vmem>>) dst(%dma_wait3A_112 : memref<832x32xf32, #tpu.memory_space<hbm>>)
    %dma_start3A_113 = arith.constant 4992 : i32
    %dma_start3A_114 = tpu.memref_slice %arg5[%dma_start3A_113] : memref<6656xi32, #tpu.memory_space<vmem>> -> memref<832xi32, #tpu.memory_space<vmem>>
    %dma_start3A_115 = arith.constant 0 : i32
    %dma_start3A_116 = arith.constant 0 : i32
    %dma_start3A_117 = tpu.memref_slice %arg3[%dma_start3A_115, %dma_start3A_116] : memref<1001472x32xf32, #tpu.memory_space<hbm>> -> memref<1001472x32xf32, #tpu.memory_space<hbm>>
    tpu.enqueue_indirect_dma source(%dma_start3A_117 : memref<1001472x32xf32, #tpu.memory_space<hbm>>) target(%arg6 : memref<832x32xf32, #tpu.memory_space<vmem>>) offsets(%dma_start3A_114 : memref<832xi32, #tpu.memory_space<vmem>>) semaphore(%arg8 : memref<!tpu.dma_semaphore, #tpu.memory_space<semaphore_mem>>)
    %dma_wait3A_118 = arith.constant 4160 : i32
    %dma_wait3A_119 = tpu.memref_slice %arg5[%dma_wait3A_118] : memref<6656xi32, #tpu.memory_space<vmem>> -> memref<832xi32, #tpu.memory_space<vmem>>
    %dma_wait3A_120 = arith.constant 0 : i32
    %dma_wait3A_121 = arith.constant 0 : i32
    %dma_wait3A_122 = tpu.memref_slice %arg3[%dma_wait3A_120, %dma_wait3A_121] : memref<1001472x32xf32, #tpu.memory_space<hbm>> -> memref<1001472x32xf32, #tpu.memory_space<hbm>>
    tpu.wait_indirect_dma semaphore(%arg8 : memref<!tpu.dma_semaphore, #tpu.memory_space<semaphore_mem>>) src(%dma_wait3A_122 : memref<1001472x32xf32, #tpu.memory_space<hbm>>) dst(%arg7 : memref<832x32xf32, #tpu.memory_space<vmem>>)
    %add3A_123 = arith.constant 4160 : i32
    %add3A_124 = arith.addi %mul3A_2, %add3A_123 : i32
    %dma_start3A_125 = arith.constant 0 : i32
    %dma_start3A_126 = tpu.memref_slice %arg4[%add3A_124, %dma_start3A_125] : memref<212992x32xf32, #tpu.memory_space<hbm>> -> memref<832x32xf32, #tpu.memory_space<hbm>>
    %dma_start3A_127 = arith.constant 0 : i32
    %dma_start3A_128 = tpu.memref_slice %arg4[%add3A_124, %dma_start3A_127] : memref<212992x32xf32, #tpu.memory_space<hbm>> -> memref<832x32xf32, #tpu.memory_space<hbm>>
    tpu.enqueue_dma source(%arg7 : memref<832x32xf32, #tpu.memory_space<vmem>>) target(%dma_start3A_128 : memref<832x32xf32, #tpu.memory_space<hbm>>) target_semaphore(%arg9 : memref<!tpu.dma_semaphore, #tpu.memory_space<semaphore_mem>>)
    %dma_wait3A_129 = arith.constant 0 : i32
    %dma_wait3A_130 = tpu.memref_slice %arg4[%add3A_124, %dma_wait3A_129] : memref<212992x32xf32, #tpu.memory_space<hbm>> -> memref<832x32xf32, #tpu.memory_space<hbm>>
    %dma_wait3A_131 = arith.constant 0 : i32
    %dma_wait3A_132 = tpu.memref_slice %arg4[%add3A_124, %dma_wait3A_131] : memref<212992x32xf32, #tpu.memory_space<hbm>> -> memref<832x32xf32, #tpu.memory_space<hbm>>
    tpu.wait_dma2 semaphore(%arg9 : memref<!tpu.dma_semaphore, #tpu.memory_space<semaphore_mem>>) src(%arg7 : memref<832x32xf32, #tpu.memory_space<vmem>>) dst(%dma_wait3A_132 : memref<832x32xf32, #tpu.memory_space<hbm>>)
    %dma_start3A_133 = arith.constant 5824 : i32
    %dma_start3A_134 = tpu.memref_slice %arg5[%dma_start3A_133] : memref<6656xi32, #tpu.memory_space<vmem>> -> memref<832xi32, #tpu.memory_space<vmem>>
    %dma_start3A_135 = arith.constant 0 : i32
    %dma_start3A_136 = arith.constant 0 : i32
    %dma_start3A_137 = tpu.memref_slice %arg3[%dma_start3A_135, %dma_start3A_136] : memref<1001472x32xf32, #tpu.memory_space<hbm>> -> memref<1001472x32xf32, #tpu.memory_space<hbm>>
    tpu.enqueue_indirect_dma source(%dma_start3A_137 : memref<1001472x32xf32, #tpu.memory_space<hbm>>) target(%arg7 : memref<832x32xf32, #tpu.memory_space<vmem>>) offsets(%dma_start3A_134 : memref<832xi32, #tpu.memory_space<vmem>>) semaphore(%arg8 : memref<!tpu.dma_semaphore, #tpu.memory_space<semaphore_mem>>)
    %dma_wait3A_138 = arith.constant 4992 : i32
    %dma_wait3A_139 = tpu.memref_slice %arg5[%dma_wait3A_138] : memref<6656xi32, #tpu.memory_space<vmem>> -> memref<832xi32, #tpu.memory_space<vmem>>
    %dma_wait3A_140 = arith.constant 0 : i32
    %dma_wait3A_141 = arith.constant 0 : i32
    %dma_wait3A_142 = tpu.memref_slice %arg3[%dma_wait3A_140, %dma_wait3A_141] : memref<1001472x32xf32, #tpu.memory_space<hbm>> -> memref<1001472x32xf32, #tpu.memory_space<hbm>>
    tpu.wait_indirect_dma semaphore(%arg8 : memref<!tpu.dma_semaphore, #tpu.memory_space<semaphore_mem>>) src(%dma_wait3A_142 : memref<1001472x32xf32, #tpu.memory_space<hbm>>) dst(%arg6 : memref<832x32xf32, #tpu.memory_space<vmem>>)
    %add3A_143 = arith.constant 4992 : i32
    %add3A_144 = arith.addi %mul3A_2, %add3A_143 : i32
    %dma_start3A_145 = arith.constant 0 : i32
    %dma_start3A_146 = tpu.memref_slice %arg4[%add3A_144, %dma_start3A_145] : memref<212992x32xf32, #tpu.memory_space<hbm>> -> memref<832x32xf32, #tpu.memory_space<hbm>>
    %dma_start3A_147 = arith.constant 0 : i32
    %dma_start3A_148 = tpu.memref_slice %arg4[%add3A_144, %dma_start3A_147] : memref<212992x32xf32, #tpu.memory_space<hbm>> -> memref<832x32xf32, #tpu.memory_space<hbm>>
    tpu.enqueue_dma source(%arg6 : memref<832x32xf32, #tpu.memory_space<vmem>>) target(%dma_start3A_148 : memref<832x32xf32, #tpu.memory_space<hbm>>) target_semaphore(%arg9 : memref<!tpu.dma_semaphore, #tpu.memory_space<semaphore_mem>>)
    %dma_wait3A_149 = arith.constant 5824 : i32
    %dma_wait3A_150 = tpu.memref_slice %arg5[%dma_wait3A_149] : memref<6656xi32, #tpu.memory_space<vmem>> -> memref<832xi32, #tpu.memory_space<vmem>>
    %dma_wait3A_151 = arith.constant 0 : i32
    %dma_wait3A_152 = arith.constant 0 : i32
    %dma_wait3A_153 = tpu.memref_slice %arg3[%dma_wait3A_151, %dma_wait3A_152] : memref<1001472x32xf32, #tpu.memory_space<hbm>> -> memref<1001472x32xf32, #tpu.memory_space<hbm>>
    tpu.wait_indirect_dma semaphore(%arg8 : memref<!tpu.dma_semaphore, #tpu.memory_space<semaphore_mem>>) src(%dma_wait3A_153 : memref<1001472x32xf32, #tpu.memory_space<hbm>>) dst(%arg7 : memref<832x32xf32, #tpu.memory_space<vmem>>)
    %add3A_154 = arith.constant 5824 : i32
    %add3A_155 = arith.addi %mul3A_2, %add3A_154 : i32
    %dma_start3A_156 = arith.constant 0 : i32
    %dma_start3A_157 = tpu.memref_slice %arg4[%add3A_155, %dma_start3A_156] : memref<212992x32xf32, #tpu.memory_space<hbm>> -> memref<832x32xf32, #tpu.memory_space<hbm>>
    %dma_start3A_158 = arith.constant 0 : i32
    %dma_start3A_159 = tpu.memref_slice %arg4[%add3A_155, %dma_start3A_158] : memref<212992x32xf32, #tpu.memory_space<hbm>> -> memref<832x32xf32, #tpu.memory_space<hbm>>
    tpu.enqueue_dma source(%arg7 : memref<832x32xf32, #tpu.memory_space<vmem>>) target(%dma_start3A_159 : memref<832x32xf32, #tpu.memory_space<hbm>>) target_semaphore(%arg9 : memref<!tpu.dma_semaphore, #tpu.memory_space<semaphore_mem>>)
    %dma_wait3A_160 = arith.constant 0 : i32
    %dma_wait3A_161 = tpu.memref_slice %arg4[%add3A_155, %dma_wait3A_160] : memref<212992x32xf32, #tpu.memory_space<hbm>> -> memref<832x32xf32, #tpu.memory_space<hbm>>
    %dma_wait3A_162 = arith.constant 0 : i32
    %dma_wait3A_163 = tpu.memref_slice %arg4[%add3A_155, %dma_wait3A_162] : memref<212992x32xf32, #tpu.memory_space<hbm>> -> memref<832x32xf32, #tpu.memory_space<hbm>>
    tpu.wait_dma2 semaphore(%arg9 : memref<!tpu.dma_semaphore, #tpu.memory_space<semaphore_mem>>) src(%arg7 : memref<832x32xf32, #tpu.memory_space<vmem>>) dst(%dma_wait3A_163 : memref<832x32xf32, #tpu.memory_space<hbm>>)
    return
  }
}

module attributes {stable_mosaic.version = 14 : i64} {
  func.func @_pack_body(%arg0: i32, %arg1: memref<32x2048xf32, #tpu.memory_space<vmem>>, %arg2: memref<128x128xf32, #tpu.memory_space<vmem>>, %arg3: memref<512x128xf32, #tpu.memory_space<vmem>>) attributes {dimension_semantics = [#tpu.dimension_semantics<arbitrary>], iteration_bounds = array<i64: 489>, scalar_prefetch = 0 : i64, scratch_operands = 0 : i64, tpu.core_type = #tpu.core_type<tc>, window_params = [{transform_indices = @transform_0, window_bounds = array<i64: 32, 2048>}, {pipeline_mode = #tpu.pipeline_mode<synchronous>, transform_indices = @transform_1, window_bounds = array<i64: 128, 128>}, {transform_indices = @transform_2, window_bounds = array<i64: 512, 128>}]} {
    %get3A = arith.constant 0 : index
    %get3A_0 = arith.constant 0 : index
    %get3A_1 = vector.load %arg1[%get3A, %get3A_0] : memref<32x2048xf32, #tpu.memory_space<vmem>>, vector<32x2048xf32>
    %slice3A = vector.extract_strided_slice %get3A_1 {offsets = [0, 0], sizes = [32, 512], strides = [1, 1]} : vector<32x2048xf32> to vector<32x512xf32>
    %slice3A_2 = vector.extract_strided_slice %get3A_1 {offsets = [0, 512], sizes = [32, 512], strides = [1, 1]} : vector<32x2048xf32> to vector<32x512xf32>
    %slice3A_3 = vector.extract_strided_slice %get3A_1 {offsets = [0, 1024], sizes = [32, 512], strides = [1, 1]} : vector<32x2048xf32> to vector<32x512xf32>
    %slice3A_4 = vector.extract_strided_slice %get3A_1 {offsets = [0, 1536], sizes = [32, 512], strides = [1, 1]} : vector<32x2048xf32> to vector<32x512xf32>
    %concatenate3A = tpu.concatenate %slice3A, %slice3A_2, %slice3A_3, %slice3A_4 in 0 : vector<32x512xf32>, vector<32x512xf32>, vector<32x512xf32>, vector<32x512xf32> -> vector<128x512xf32>
    %get3A_5 = arith.constant 0 : index
    %get3A_6 = arith.constant 0 : index
    %get3A_7 = vector.load %arg2[%get3A_5, %get3A_6] : memref<128x128xf32, #tpu.memory_space<vmem>>, vector<128x128xf32>
    %dot_general3A = arith.constant dense<0.000000e+00> : vector<512x128xf32>
    %dot_general3A_8 = tpu.matmul %concatenate3A, %get3A_7, %dot_general3A {dimension_numbers = #tpu.dot_dimension_numbers<[0], [0], [1], [1], [0, 1, 1, 1], [], []>, transpose_lhs_hint = false} : vector<128x512xf32>, vector<128x128xf32>, vector<512x128xf32> -> vector<512x128xf32>
    %swap3A = arith.constant 0 : index
    %swap3A_9 = arith.constant 0 : index
    %swap3A_10 = vector.load %arg3[%swap3A, %swap3A_9] : memref<512x128xf32, #tpu.memory_space<vmem>>, vector<512x128xf32>
    tpu.vector_store %arg3[%swap3A, %swap3A_9], %dot_general3A_8 {strides = array<i32>} : memref<512x128xf32, #tpu.memory_space<vmem>>, vector<512x128xf32>,
    return
  }
  func.func @transform_0(%arg0: i32) -> (i32, i32) {
    %c0_i32 = arith.constant 0 : i32
    %c0_i32_0 = arith.constant 0 : i32
    return %c0_i32, %arg0 : i32, i32
  }
  func.func @transform_1(%arg0: i32) -> (i32, i32) {
    %c0_i32 = arith.constant 0 : i32
    %c0_i32_0 = arith.constant 0 : i32
    %c0_i32_1 = arith.constant 0 : i32
    return %c0_i32, %c0_i32_0 : i32, i32
  }
  func.func @transform_2(%arg0: i32) -> (i32, i32) {
    %c0_i32 = arith.constant 0 : i32
    %c0_i32_0 = arith.constant 0 : i32
    return %arg0, %c0_i32 : i32, i32
  }
}

module attributes {stable_mosaic.version = 14 : i64} {
  func.func @_mm_body_first(%arg0: i32, %arg1: memref<1024x128xf32, #tpu.memory_space<vmem>>, %arg2: memref<128x512xf32, #tpu.memory_space<vmem>>, %arg3: memref<1x512xf32, #tpu.memory_space<vmem>>, %arg4: memref<1024x512xf32, #tpu.memory_space<vmem>>) attributes {dimension_semantics = [#tpu.dimension_semantics<arbitrary>], iteration_bounds = array<i64: 52>, scalar_prefetch = 0 : i64, scratch_operands = 0 : i64, tpu.core_type = #tpu.core_type<tc>, window_params = [{transform_indices = @transform_0, window_bounds = array<i64: 1024, 128>}, {pipeline_mode = #tpu.pipeline_mode<synchronous>, transform_indices = @transform_1, window_bounds = array<i64: 128, 512>}, {pipeline_mode = #tpu.pipeline_mode<synchronous>, transform_indices = @transform_2, window_bounds = array<i64: 1, 512>}, {transform_indices = @transform_3, window_bounds = array<i64: 1024, 512>}]} {
    %get3A = arith.constant 0 : index
    %get3A_0 = arith.constant 0 : index
    %get3A_1 = vector.load %arg1[%get3A, %get3A_0] : memref<1024x128xf32, #tpu.memory_space<vmem>>, vector<1024x128xf32>
    %get3A_2 = arith.constant 0 : index
    %get3A_3 = arith.constant 0 : index
    %get3A_4 = vector.load %arg2[%get3A_2, %get3A_3] : memref<128x512xf32, #tpu.memory_space<vmem>>, vector<128x512xf32>
    %dot_general3A = arith.constant dense<0.000000e+00> : vector<1024x512xf32>
    %dot_general3A_5 = tpu.matmul %get3A_1, %get3A_4, %dot_general3A {dimension_numbers = #tpu.dot_dimension_numbers<[1], [0], [0], [1], [0, 0, 1, 1], [], []>, transpose_lhs_hint = false} : vector<1024x128xf32>, vector<128x512xf32>, vector<1024x512xf32> -> vector<1024x512xf32>
    %get3A_6 = arith.constant 0 : index
    %get3A_7 = arith.constant 0 : index
    %get3A_8 = vector.load %arg3[%get3A_6, %get3A_7] : memref<1x512xf32, #tpu.memory_space<vmem>>, vector<1x512xf32>
    %add3A = vector.broadcast %get3A_8 : vector<1x512xf32> to vector<1024x512xf32>
    %add3A_9 = arith.addf %dot_general3A_5, %add3A : vector<1024x512xf32>
    %swap3A = arith.constant 0 : index
    %swap3A_10 = arith.constant 0 : index
    %swap3A_11 = vector.load %arg4[%swap3A, %swap3A_10] : memref<1024x512xf32, #tpu.memory_space<vmem>>, vector<1024x512xf32>
    tpu.vector_store %arg4[%swap3A, %swap3A_10], %add3A_9 {strides = array<i32>} : memref<1024x512xf32, #tpu.memory_space<vmem>>, vector<1024x512xf32>,
    return
  }
  func.func @transform_0(%arg0: i32) -> (i32, i32) {
    %c0_i32 = arith.constant 0 : i32
    %c0_i32_0 = arith.constant 0 : i32
    return %arg0, %c0_i32 : i32, i32
  }
  func.func @transform_1(%arg0: i32) -> (i32, i32) {
    %c0_i32 = arith.constant 0 : i32
    %c0_i32_0 = arith.constant 0 : i32
    %c0_i32_1 = arith.constant 0 : i32
    return %c0_i32, %c0_i32_0 : i32, i32
  }
  func.func @transform_2(%arg0: i32) -> (i32, i32) {
    %c0_i32 = arith.constant 0 : i32
    %c0_i32_0 = arith.constant 0 : i32
    %c0_i32_1 = arith.constant 0 : i32
    return %c0_i32, %c0_i32_0 : i32, i32
  }
  func.func @transform_3(%arg0: i32) -> (i32, i32) {
    %add3A = arith.constant 0 : i32
    %add3A_0 = arith.addi %add3A, %arg0 : i32
    %c0_i32 = arith.constant 0 : i32
    %c0_i32_1 = arith.constant 0 : i32
    return %add3A_0, %c0_i32 : i32, i32
  }
}

module attributes {stable_mosaic.version = 14 : i64} {
  func.func @_mm_body_acc(%arg0: i32, %arg1: memref<106496x512xf32, #tpu.memory_space<any>>, %arg2: memref<1024x128xf32, #tpu.memory_space<vmem>>, %arg3: memref<128x512xf32, #tpu.memory_space<vmem>>, %arg4: memref<1x512xf32, #tpu.memory_space<vmem>>, %arg5: memref<1024x512xf32, #tpu.memory_space<vmem>>) attributes {dimension_semantics = [#tpu.dimension_semantics<arbitrary>], iteration_bounds = array<i64: 52>, scalar_prefetch = 0 : i64, scratch_operands = 0 : i64, tpu.core_type = #tpu.core_type<tc>, window_params = [{}, {transform_indices = @transform_1, window_bounds = array<i64: 1024, 128>}, {pipeline_mode = #tpu.pipeline_mode<synchronous>, transform_indices = @transform_2, window_bounds = array<i64: 128, 512>}, {pipeline_mode = #tpu.pipeline_mode<synchronous>, transform_indices = @transform_3, window_bounds = array<i64: 1, 512>}, {transform_indices = @transform_4, window_bounds = array<i64: 1024, 512>}]} {
    %get3A = arith.constant 0 : index
    %get3A_0 = arith.constant 0 : index
    %get3A_1 = vector.load %arg2[%get3A, %get3A_0] : memref<1024x128xf32, #tpu.memory_space<vmem>>, vector<1024x128xf32>
    %get3A_2 = arith.constant 0 : index
    %get3A_3 = arith.constant 0 : index
    %get3A_4 = vector.load %arg3[%get3A_2, %get3A_3] : memref<128x512xf32, #tpu.memory_space<vmem>>, vector<128x512xf32>
    %dot_general3A = arith.constant dense<0.000000e+00> : vector<1024x512xf32>
    %dot_general3A_5 = tpu.matmul %get3A_1, %get3A_4, %dot_general3A {dimension_numbers = #tpu.dot_dimension_numbers<[1], [0], [0], [1], [0, 0, 1, 1], [], []>, transpose_lhs_hint = false} : vector<1024x128xf32>, vector<128x512xf32>, vector<1024x512xf32> -> vector<1024x512xf32>
    %get3A_6 = arith.constant 0 : index
    %get3A_7 = arith.constant 0 : index
    %get3A_8 = vector.load %arg4[%get3A_6, %get3A_7] : memref<1x512xf32, #tpu.memory_space<vmem>>, vector<1x512xf32>
    %add3A = vector.broadcast %get3A_8 : vector<1x512xf32> to vector<1024x512xf32>
    %add3A_9 = arith.addf %dot_general3A_5, %add3A : vector<1024x512xf32>
    %swap3A = arith.constant 0 : index
    %swap3A_10 = arith.constant 0 : index
    %swap3A_11 = vector.load %arg5[%swap3A, %swap3A_10] : memref<1024x512xf32, #tpu.memory_space<vmem>>, vector<1024x512xf32>
    tpu.vector_store %arg5[%swap3A, %swap3A_10], %add3A_9 {strides = array<i32>} : memref<1024x512xf32, #tpu.memory_space<vmem>>, vector<1024x512xf32>,
    return
  }
  func.func @transform_1(%arg0: i32) -> (i32, i32) {
    %c0_i32 = arith.constant 0 : i32
    %c0_i32_0 = arith.constant 0 : i32
    return %arg0, %c0_i32 : i32, i32
  }
  func.func @transform_2(%arg0: i32) -> (i32, i32) {
    %c0_i32 = arith.constant 0 : i32
    %c0_i32_0 = arith.constant 0 : i32
    %c0_i32_1 = arith.constant 0 : i32
    return %c0_i32, %c0_i32_0 : i32, i32
  }
  func.func @transform_3(%arg0: i32) -> (i32, i32) {
    %c0_i32 = arith.constant 0 : i32
    %c0_i32_0 = arith.constant 0 : i32
    %c0_i32_1 = arith.constant 0 : i32
    return %c0_i32, %c0_i32_0 : i32, i32
  }
  func.func @transform_4(%arg0: i32) -> (i32, i32) {
    %add3A = arith.constant 52 : i32
    %add3A_0 = arith.addi %add3A, %arg0 : i32
    %c0_i32 = arith.constant 0 : i32
    %c0_i32_1 = arith.constant 0 : i32
    return %add3A_0, %c0_i32 : i32, i32
  }
}

</mosaic_0001>

<sc_bundles>
// kernel: kernel.10.cloned.1.call-start
scs
__scs_entry_jumppad:
0x0: {  	(pc) =	sbr.rel $0x88, $3  }
0x1: {  	(tag) =	ssettag $0x0;
	lr =	simm.s32 $0x1  }
0x2: {  	[smem:$0x3F9D] =	sst lr;
	_ =	strace $0xD0000000  }
0x3: {  	_ = 	snop  }
0x4: {  	_ = 	snop  }
0x5: {  	_ = 	snop  }
0x6: {  	_ = 	snop  }
0x7: {  	_ = 	snop  }
__scs_overlays_trampoline_lowered:
0x8: {  	[smem:$0x3FAC] =	sst s0  }
0x9: {  	[smem:$0x3FAD] =	sst s1  }
0xa: {  	[smem:$0x3FAE] =	sst s2  }
0xb: {  	[smem:$0x3FAF] =	sst s3  }
0xc: {  	[smem:$0x3FB0] =	sst s4  }
0xd: {  	[smem:$0x3FB1] =	sst s5  }
0xe: {  	[smem:$0x3FB2] =	sst s6  }
0xf: {  	[smem:$0x3FB3] =	sst s7  }
0x10: {  	[smem:$0x3FB4] =	sst s8  }
0x11: {  	[smem:$0x3FB5] =	sst s9;
	s0 =	simm.s32 @!p0 $0x0  }
0x12: {  	s1 =	sld [smem:$0x3F9B];
	s0 =	simm.s32 @p0 $0x1  }
0x13: {  	[smem:$0x3FB6] =	sst s0;
	s0 =	simm.s32 @!p1 $0x0  }
0x14: {  	s2 =	sld [smem:$0x3F9A];
	s0 =	simm.s32 @p1 $0x1  }
0x15: {  	[smem:$0x3FB7] =	sst s0;
	s0 =	simm.s32 @!p2 $0x0  }
0x16: {  	s3 =	sld [smem:$0x3FDB];
	s0 =	simm.s32 @p2 $0x1  }
0x17: {  	s4 =	simm.s32 $0x1BF5;
	[smem:$0x3FB9] =	sst s0  }
0x18: {  	s0 =	sld [smem:$0x3F9C];
	_ =	swait.ge [sflag:s4], $0x0  }
0x19: {  	s7 =	sld [smem:$0x3F9D]  }
0x1a: {  	s8 =	sadd.s32 $0xFFFFE003, lr  }
0x1b: {  	s9 =	sadd.s32 $0xFFFFFEF7, lr;
	s5 =	simm.s32 $0xFFFFFFFF;
	p2 =	slt.u32 s8, $0xFFFFF086  }
0x1c: {  	p1 =	slt.u32 s9, $0xF7A;
	s5 =	simm.s32 @!p2 $0x0  }
0x1d: {  	s5 =	simm.s32 @p1 $0x1;
	p0 =	seq.s32 s7, s2  }
0x1e: {  	s7 =	smul.u32 @!p0 $0xF7A, s2;
	p2 =	seq.s32 @!p0 s5, $0x0  }
0x1f: {  	s9 =	smul.u32 $0xF7A, s1;
	s8 =	simm.s32 @!p0 $0x1BF5;
	p2 =	por !p2, p0  }
0x20: {  	[sflag:s8] =	ssyncset.s32 @!p0 $0xFFFFF086;
	s6 =	sadd.s32 @!p0 s3, s7;
	s7 =	simm.s32 @!p0 $0x108  }
0x21: {  	s3 =	sadd.s32 s3, s9;
	s6 =	sadd.s32 @!p0 $0x88, s6;
	s7 =	simm.s32 @p2 $0x1082  }
0x22: {  	[simem:s7], [sflag:s8] =	dma.local @!p0 [hbm:s6], $0xF7A  }
0x23: {  	s9 =	sor.u32 $0xD0000000, s2;
	s6 =	simm.s32 $0x108;
	_ =	swait.ge @!p0 [sflag:s8], $0x0  }
0x24: {  	s3 =	sadd.s32 $0x88, s3;
	s6 =	simm.s32 @!p1 $0x1082;
	[sflag:s4] =	ssyncset.s32 $0xFFFFF086  }
0x25: {  	[simem:s6], [sflag:s4] =	dma.local [hbm:s3], $0xF7A  }
0x26: {  	[smem:$0x3F9D] =	sst s1;
	(tag) =	ssettag s2;
	_ =	strace s9  }
0x27: {  	s1 =	sld [smem:$0x3FAD]  }
0x28: {  	s2 =	sld [smem:$0x3FAE]  }
0x29: {  	s4 =	sld [smem:$0x3FB0]  }
0x2a: {  	p0 =	seq.s32 s5, $0x0;
	s5 =	sld [smem:$0x3FB1]  }
0x2b: {  	s6 =	sld [smem:$0x3FB2]  }
0x2c: {  	s7 =	sld [smem:$0x3FB3]  }
0x2d: {  	s3 =	simm.s32 $0x108;
	s8 =	sld [smem:$0x3FB4]  }
0x2e: {  	s3 =	simm.s32 @!p0 $0x1082;
	s9 =	sld [smem:$0x3FB5]  }
0x2f: {  	lr =	sadd.s32 s0, s3;
	s0 =	sld [smem:$0x3FAC]  }
0x30: {  	s3 =	sld [smem:$0x3FAF]  }
0x31: {  	[smem:$0x3FB8] =	sst s10  }
0x32: {  	s10 =	sld [smem:$0x3FB6];
	_ =	sdelay $0x3  }
0x33: {  	p0 =	seq.s32 s10, $0x1;
	s10 =	sld [smem:$0x3FB8];
	_ =	sdelay $0x3  }
0x34: {  	[smem:$0x3FB8] =	sst s10  }
0x35: {  	s10 =	sld [smem:$0x3FB7];
	_ =	sdelay $0x3  }
0x36: {  	p1 =	seq.s32 s10, $0x1;
	s10 =	sld [smem:$0x3FB8];
	_ =	sdelay $0x3  }
0x37: {  	[smem:$0x3FB8] =	sst s10  }
0x38: {  	s10 =	sld [smem:$0x3FB9]  }
0x39: {  	_ = 	snop;
	(pc) =	sbr.ind lr, $3  }
0x3a: {  	_ = 	snop  }
0x3b: {  	_ = 	snop  }
0x3c: {  	p2 =	seq.s32 s10, $0x1;
	s10 =	sld [smem:$0x3FB8]  }
0x3d: {  	_ =	shalt  }
0x3e: {  	_ =	shalt  }
0x3f: {  	_ =	shalt  }
0x40: {  	_ =	shalt  }
0x41: {  	_ =	shalt  }
0x42: {  	_ =	shalt  }
0x43: {  	_ =	shalt  }
0x44: {  	_ =	shalt  }
0x45: {  	_ =	shalt  }
0x46: {  	_ =	shalt  }
0x47: {  	_ =	shalt  }
0x48: {  	_ =	shalt  }
0x49: {  	_ =	shalt  }
0x4a: {  	_ =	shalt  }
0x4b: {  	_ =	shalt  }
0x4c: {  	_ =	shalt  }
0x4d: {  	_ =	shalt  }
0x4e: {  	_ =	shalt  }
0x4f: {  	_ =	shalt  }
0x50: {  	_ =	shalt  }
0x51: {  	_ =	shalt  }
0x52: {  	_ =	shalt  }
0x53: {  	_ =	shalt  }
0x54: {  	_ =	shalt  }
0x55: {  	_ =	shalt  }
0x56: {  	_ =	shalt  }
0x57: {  	_ =	shalt  }
0x58: {  	_ =	shalt  }
0x59: {  	_ =	shalt  }
0x5a: {  	_ =	shalt  }
0x5b: {  	_ =	shalt  }
0x5c: {  	_ =	shalt  }
0x5d: {  	_ =	shalt  }
0x5e: {  	_ =	shalt  }
0x5f: {  	_ =	shalt  }
0x60: {  	_ =	shalt  }
0x61: {  	_ =	shalt  }
0x62: {  	_ =	shalt  }
0x63: {  	_ =	shalt  }
0x64: {  	_ =	shalt  }
0x65: {  	_ =	shalt  }
0x66: {  	_ =	shalt  }
0x67: {  	_ =	shalt  }
0x68: {  	_ =	shalt  }
0x69: {  	_ =	shalt  }
0x6a: {  	_ =	shalt  }
0x6b: {  	_ =	shalt  }
0x6c: {  	_ =	shalt  }
0x6d: {  	_ =	shalt  }
0x6e: {  	_ =	shalt  }
0x6f: {  	_ =	shalt  }
0x70: {  	_ =	shalt  }
0x71: {  	_ =	shalt  }
0x72: {  	_ =	shalt  }
0x73: {  	_ =	shalt  }
0x74: {  	_ =	shalt  }
0x75: {  	_ =	shalt  }
0x76: {  	_ =	shalt  }
0x77: {  	_ =	shalt  }
0x78: {  	_ =	shalt  }
0x79: {  	_ =	shalt  }
0x7a: {  	_ =	shalt  }
0x7b: {  	_ =	shalt  }
0x7c: {  	_ =	shalt  }
0x7d: {  	_ =	shalt  }
0x7e: {  	_ =	shalt  }
0x7f: {  	_ =	shalt  }
0x80: {  	_ =	shalt  }
0x81: {  	_ =	shalt  }
0x82: {  	_ =	shalt  }
0x83: {  	_ =	shalt  }
0x84: {  	_ =	shalt  }
0x85: {  	_ =	shalt  }
0x86: {  	_ =	shalt  }
0x87: {  	_ =	shalt  }
.Lfunc_end0:
.L_simem_size_0:
called_computation.1_lowered:
.L_overlay_start_0:
0x88: {  	s2 =	sld [smem:$0x3FD9]  }
0x89: {  	s3 =	sld [smem:$0x3FFE];
	_ =	sdelay $0x1  }
0x8a: {  	s1 =	srdreg.scid  }
0x8b: {  	s0 =	sand.u32 $0x1, s1  }
0x8c: {  	s17 =	sshll.u32 s0, $0xA;
	s2 =	sadd.s32 s3, s2  }
0x8d: {  	s2 =	sadd.s32 s2, s17  }
0x8e: {  	[smem:$0x3FC4] =	sst s2  }
0x8f: {  	_ = 	snop  }
0x90: {  	s18 =	sld [smem:$0x3FD0];
	(tm) =	ssettm $0x1  }
0x91: {  	s19 =	sld [smem:$0x3FFB];
	_ =	sdelay $0x3  }
0x92: {  	_ =	strace s19  }
0x93: {  	s2 =	sld [smem:$0x3FFC];
	_ =	sdelay $0x3  }
0x94: {  	_ =	strace s2  }
0x95: {  	s2 =	sld [smem:$0x3FFD];
	_ =	sdelay $0x3  }
0x96: {  	_ =	strace s2  }
0x97: {  	_ =	strace $0x8FFFFFFF  }
0x98: {  	s20 =	sld [smem:$0x3FDB];
	_ =	sdelay $0x1  }
0x99: {  	s4 =	simm.s32 $_scs_section_size  }
0x9a: {  	s5 =	simm.s32 $_size__tile_overlayer_lowered;
	s6 =	simm.s32 $_tile_overlayer_lowered  }
0x9b: {  	s7 =	simm.s32 $0x1BFF;
	s21 =	sshll.u32 s6, $0x1;
	s4 =	sadd.s32 s4, s20  }
0x9c: {  	s22 =	simm.s32 $0x0;
	s5 =	sshll.u32 s5, $0x1;
	s6 =	sadd.s32 s21, s4  }
0x9d: {  	[timem:s22], [sflag:s7] =	dma.local [hbm:s6], s5  }
0x9e: {  	_ =	swait.ge [sflag:s7], s5  }
0x9f: {  	s5 =	ssub.s32 $0x0, s5;
	[sflag:s7] =	ssyncset.done $0x0  }
0xa0: {  	[sflag:s7] =	ssyncadd.s32 s5;
	_ =	sdelay $0x1  }
0xa1: {  	s23 =	simm.s32 $0x1B8B  }
0xa2: {  	_ =	swait.ge [sflag:s23], $0x1  }
0xa3: {  	[sflag:s23] =	ssyncset.done $0x0  }
0xa4: {  	[sflag:s23] =	ssyncadd.s32 $0xFFFFFFFF  }
0xa5: {  	s5 =	sld [smem:$0x0]  }
0xa6: {  	s6 =	sand.u32 $0xFFFFFFFE, s1  }
0xa7: {  	p0 =	sne.s32 s1, s6  }
0xa8: {  	s6 =	sshll.u32 @p0 s6, $0xE  }
0xa9: {  	s6 =	sadd.s32 @p0 $0x11B8D, s6;
	s7 =	sshll.u32 @p0 s5, $0x11  }
0xaa: {  	s6 =	sor.u32 @p0 s7, s6  }
0xab: {  	[sflag:s6] =	ssyncadd.remote.s32 @p0 $0x1;
	_ =	sdelay $0x1  }
0xac: {  	s6 =	simm.s32 @p0 $0x1B8D  }
0xad: {  	_ =	swait.eq @p0 [sflag:s6], $0x1  }
0xae: {  	[sflag:s6] =	ssyncadd.s32 @p0 $0xFFFFFFFF  }
0xaf: {  	s7 =	sshll.u32 @!p0 s1, $0xE  }
0xb0: {  	s7 =	sor.u32 @!p0 $0x4000, s7;
	s6 =	simm.s32 @!p0 $0x1B8D  }
0xb1: {  	s5 =	sshll.u32 @!p0 s5, $0x11;
	s7 =	sadd.s32 @!p0 $0x11B8D, s7;
	_ =	swait.eq @!p0 [sflag:s6], $0x1  }
0xb2: {  	s5 =	sor.u32 @!p0 s5, s7;
	[sflag:s6] =	ssyncadd.s32 @!p0 $0xFFFFFFFF  }
0xb3: {  	s25 =	simm.s32 $0x1B8E;
	s24 =	sld [smem:$0x3FFE];
	[sflag:s5] =	ssyncadd.remote.s32 @!p0 $0x1  }
0xb4: {  	s26 =	simm.s32 $execute0_lowered;
	[smem:$0x3FD2] =	sst s25  }
0xb5: {  	s6 =	sshll.u32 s26, $0x1;
	_ =	strace $0x80000049;
	[dreg:$0x1] =	wrdreg $0xFFFFFFFF  }
0xb6: {  	s28 =	simm.s32 $_size_execute0_lowered;
	s4 =	sadd.s32 s4, s6;
	[dreg:$0x0] =	wrdreg $0x0  }
0xb7: {  	s6 =	sshll.u32 s28, $0x1;
	[dreg:$0x2] =	wrdreg s4  }
0xb8: {  	[dreg:$0x3] =	wrdreg s6  }
0xb9: {  	[dreg:$0x4] =	wrdreg $0xC0  }
0xba: {  	_ =	task [dreg:s22], $0x5FFFF  }
0xbb: {  	[dreg:$0x1] =	wrdreg $0xFFFFFFFF  }
0xbc: {  	[dreg:$0x0] =	wrdreg $0x60  }
0xbd: {  	[dreg:$0x2] =	wrdreg s24  }
0xbe: {  	[dreg:$0x3] =	wrdreg s18  }
0xbf: {  	[dreg:$0x4] =	wrdreg $0xA  }
0xc0: {  	_ =	task.clear_ibuf [dreg:s22], $0x5FFFF;
	_ =	strace $0x90000049  }
0xc1: {  	s29 =	simm.s32 $0xA;
	_ =	strace $0x8000004B  }
0xc2: {  	_ =	swait.ge [sflag:s29], $0x1  }
0xc3: {  	[sflag:s29] =	ssyncadd.s32 $0xFFFFFFFF  }
0xc4: {  	_ =	strace $0x9000004B  }
0xc5: {  	_ =	sfence  }
0xc6: {  	s30 =	sld [smem:$0x0];
	_ =	sdelay $0x2  }
0xc7: {  	s31 =	sshll.u32 s1, $0xD;
	s1 =	sshrl.u32 s1, $0x2  }
0xc8: {  	s4 =	sand.u32 $0x4000, s31;
	s1 =	sadd.s32 s1, s30  }
0xc9: {  	s0 =	sor.u32 s4, s0;
	s1 =	sshll.u32 s1, $0x11  }
0xca: {  	s0 =	sor.u32 s1, s0  }
0xcb: {  	s0 =	sadd.s32 $0x8F2B, s0  }
0xcc: {  	[sflag:s0] =	ssyncadd.remote.s32 $0x1  }
0xcd: {  	_ =	sfence.sel $0xFFFF  }
0xce: {  	[dreg:$0x0] =	wrdreg $0xFFFFFFFF;
	(pc) =	sbr.abs _section_cstart, $3  }
0xcf: {  	[dreg:$0x1] =	wrdreg $0xFFFFFFFF  }
0xd0: {  	_ =	task.clear_ibuf [dreg:s22], $0x2FFFF;
	_ =	strace $0x9FFFFFFF  }
0xd1: {  	(tm) =	ssettm $0x7FFFFFFF  }
tec
execute0_lowered:
.L_overlay_start_1:
0x0: {  	(tag) =	ssettag $0x1  }
0x1: {  	s4 =	rddreg [dreg:$0x0]  }
0x2: {  	s2 =	rddreg [dreg:$0x1]  }
0x3: {  	s0 =	rddreg [dreg:$0x2]  }
0x4: {  	s5 =	srdreg.scid;
	s1 =	stileid.u32;
	s3 =	simm.s32 $0x0  }
0x5: {  	s14 =	simm.s32 $0x3;
	s15 =	simm.s32 $0x340;
	s16 =	simm.s32 $0x1A00  }
0x6: {  	s17 =	simm.s32 $0x8200;
	s18 =	simm.s32 $0x1;
	s19 =	simm.s32 $0x2  }
0x7: {  	s20 =	simm.s32 $0x680;
	s21 =	simm.s32 $0x9C0;
	s22 =	simm.s32 $0xD00  }
0x8: {  	s23 =	simm.s32 $0x1040;
	s5 =	sand.u32 $0x1, s5;
	s6 =	sshll.u32 s1, $0x1  }
0x9: {  	s24 =	simm.s32 $0x1380;
	s25 =	simm.s32 $0x16C0;
	s6 =	sor.u32 s5, s6  }
0xa: {  	s26 =	simm.s32 $0x0;
	[smem:$0x7FF] =	sst s3;
	s7 =	smul.u32 $0x1A00, s6  }
0xb: {  	s8 =	sadd.s32 $0xDDC00, s4;
	s5 =	ssub.s32 $0x2, s5;
	s9 =	smul.u32 $0x34000, s6  }
0xc: {  	_ =	strace $0x8000004A;
	s10 =	sshrl.u32 s5, $0x1;
	s6 =	smul.u32 $0x6800, s6  }
0xd: {  	s13 =	ssub.s32 s5, s10;
	s7 =	sshrl.u32 s7, $0x3;
	s31 =	sshrl.u32 s9, $0x3  }
0xe: {  	s5 =	sadd.s32 s8, s6;
	s4 =	sadd.s32 s4, s7;
	s12 =	sadd.s32 s8, s31  }
0xf: {  	s13 =	smax.u32 s13, $0x1;
	s4 =	sadd.s32 $0x7400, s4;
	s6 =	sadd.s32 $0xD00, s12  }
0x10: {  	s7 =	sadd.s32 $0x1A00, s12;
	s8 =	sadd.s32 $0x2700, s12;
	s9 =	sadd.s32 $0x3400, s12  }
0x11: {  	s10 =	sadd.s32 $0x4100, s12;
	s11 =	sadd.s32 $0x4E00, s12;
	s12 =	sadd.s32 $0x5B00, s12  }
.LBB2_1:
0x12: {  	[tilespmem:s3], [sflag:$0x3] =	stream.linear.gather [hbm4b:s4+s3], $0x1A00, $0x38;
	[tilespmem:$0xEA00] =	vst v63  }
0x13: {  	_ =	swait.ge [sflag:s14], $0x1A00  }
0x14: {  	[sflag:s14] =	ssyncset.done $0x0  }
0x15: {  	s28 =	simm.s32 $0x0;
	s29 =	simm.s32 $0x40;
	[sflag:s14] =	ssyncadd.s32 $0xFFFFE600  }
.LBB2_2:
0x16: {  	p0 =	sne.s32 s29, $0x67C0;
	v0 =	vld [tilespmem:s28+$0x0];
	_ =	sdelay $0x4  }
.Ltmp0:
0x17: {  	v1 =	vshll.u32 v0, $0x2;
	(pc) =	sbr.rel @p0 .LBB2_2-.Ltmp0, $4  }
0x18: {  	v2 =	vand.u32 $0xFFFFF800, v0;
	v0 =	vshrl.u32 v0, $0x9;
	v1 =	vand.u32 $0x7FC, v1  }
0x19: {  	v0 =	vand.u32 $0x3, v0;
	v1 =	vor.u32 v2, v1  }
0x1a: {  	v0 =	vor.u32 v0, v1  }
0x1b: {  	[tilespmem:s28+$0x0] =	vst v0;
	s28 =	sshra.s32 s29, $0x2;
	s29 =	sadd.s32 $0x40, s29  }
0x1c: {  	v0 =	vld [tilespmem:s28+$0x0];
	_ =	sdelay $0x4  }
0x1d: {  	v1 =	vshll.u32 v0, $0x2  }
0x1e: {  	v2 =	vand.u32 $0xFFFFF800, v0;
	v0 =	vshrl.u32 v0, $0x9;
	v1 =	vand.u32 $0x7FC, v1  }
0x1f: {  	v0 =	vand.u32 $0x3, v0;
	v1 =	vor.u32 v2, v1  }
0x20: {  	v0 =	vor.u32 v0, v1  }
0x21: {  	[tilespmem:s28+$0x0] =	vst v0  }
0x22: {  	[tilespmem:s16], [sflag:$0x1] =	stream.indirect.gather [hbm4b:s2+s15], $0x20, s3, s15, $0xb8;
	[tilespmem:$0xEA00] =	vst v63  }
0x23: {  	_ = 	snop  }
0x24: {  	[tilespmem:s17], [sflag:$0x1] =	stream.indirect.gather [hbm4b:s2+s15], $0x20, s15, s15, $0xb8;
	[tilespmem:$0xEA00] =	vst v63  }
0x25: {  	_ =	swait.ge [sflag:s18], $0x6800  }
0x26: {  	[sflag:s18] =	ssyncset.done $0x0  }
0x27: {  	[sflag:s18] =	ssyncadd.s32 $0xFFFF9800  }
0x28: {  	[hbm4b:s5+s3] =	stream.linear.scatter [tilespmem:s16], [sflag:$0x2], $0x6800, $0x38;
	[tilespmem:$0xEA00] =	vst v63  }
0x29: {  	_ =	swait.ge [sflag:s19], $0x6800  }
0x2a: {  	[sflag:s19] =	ssyncset.done $0x0  }
0x2b: {  	[sflag:s19] =	ssyncadd.s32 $0xFFFF9800  }
0x2c: {  	[tilespmem:s16], [sflag:$0x1] =	stream.indirect.gather [hbm4b:s2+s15], $0x20, s20, s15, $0xb8;
	[tilespmem:$0xEA00] =	vst v63  }
0x2d: {  	_ =	swait.ge [sflag:s18], $0x6800  }
0x2e: {  	[sflag:s18] =	ssyncset.done $0x0  }
0x2f: {  	[sflag:s18] =	ssyncadd.s32 $0xFFFF9800  }
0x30: {  	[hbm4b:s6+s3] =	stream.linear.scatter [tilespmem:s17], [sflag:$0x2], $0x6800, $0x38;
	[tilespmem:$0xEA00] =	vst v63  }
0x31: {  	_ =	swait.ge [sflag:s19], $0x6800  }
0x32: {  	[sflag:s19] =	ssyncset.done $0x0  }
0x33: {  	[sflag:s19] =	ssyncadd.s32 $0xFFFF9800  }
0x34: {  	[tilespmem:s17], [sflag:$0x1] =	stream.indirect.gather [hbm4b:s2+s15], $0x20, s21, s15, $0xb8;
	[tilespmem:$0xEA00] =	vst v63  }
0x35: {  	_ =	swait.ge [sflag:s18], $0x6800  }
0x36: {  	[sflag:s18] =	ssyncset.done $0x0  }
0x37: {  	[sflag:s18] =	ssyncadd.s32 $0xFFFF9800  }
0x38: {  	[hbm4b:s7+s3] =	stream.linear.scatter [tilespmem:s16], [sflag:$0x2], $0x6800, $0x38;
	[tilespmem:$0xEA00] =	vst v63  }
0x39: {  	_ =	swait.ge [sflag:s19], $0x6800  }
0x3a: {  	[sflag:s19] =	ssyncset.done $0x0  }
0x3b: {  	[sflag:s19] =	ssyncadd.s32 $0xFFFF9800  }
0x3c: {  	[tilespmem:s16], [sflag:$0x1] =	stream.indirect.gather [hbm4b:s2+s15], $0x20, s22, s15, $0xb8;
	[tilespmem:$0xEA00] =	vst v63  }
0x3d: {  	_ =	swait.ge [sflag:s18], $0x6800  }
0x3e: {  	[sflag:s18] =	ssyncset.done $0x0  }
0x3f: {  	[sflag:s18] =	ssyncadd.s32 $0xFFFF9800  }
0x40: {  	[hbm4b:s8+s3] =	stream.linear.scatter [tilespmem:s17], [sflag:$0x2], $0x6800, $0x38;
	[tilespmem:$0xEA00] =	vst v63  }
0x41: {  	_ =	swait.ge [sflag:s19], $0x6800  }
0x42: {  	[sflag:s19] =	ssyncset.done $0x0  }
0x43: {  	[sflag:s19] =	ssyncadd.s32 $0xFFFF9800  }
0x44: {  	[tilespmem:s17], [sflag:$0x1] =	stream.indirect.gather [hbm4b:s2+s15], $0x20, s23, s15, $0xb8;
	[tilespmem:$0xEA00] =	vst v63  }
0x45: {  	_ =	swait.ge [sflag:s18], $0x6800  }
0x46: {  	[sflag:s18] =	ssyncset.done $0x0  }
0x47: {  	[sflag:s18] =	ssyncadd.s32 $0xFFFF9800  }
0x48: {  	[hbm4b:s9+s3] =	stream.linear.scatter [tilespmem:s16], [sflag:$0x2], $0x6800, $0x38;
	[tilespmem:$0xEA00] =	vst v63  }
0x49: {  	_ =	swait.ge [sflag:s19], $0x6800  }
0x4a: {  	[sflag:s19] =	ssyncset.done $0x0  }
0x4b: {  	[sflag:s19] =	ssyncadd.s32 $0xFFFF9800  }
0x4c: {  	[tilespmem:s16], [sflag:$0x1] =	stream.indirect.gather [hbm4b:s2+s15], $0x20, s24, s15, $0xb8;
	[tilespmem:$0xEA00] =	vst v63  }
0x4d: {  	_ =	swait.ge [sflag:s18], $0x6800  }
0x4e: {  	[sflag:s18] =	ssyncset.done $0x0  }
0x4f: {  	[sflag:s18] =	ssyncadd.s32 $0xFFFF9800  }
0x50: {  	[hbm4b:s10+s3] =	stream.linear.scatter [tilespmem:s17], [sflag:$0x2], $0x6800, $0x38;
	[tilespmem:$0xEA00] =	vst v63  }
0x51: {  	_ =	swait.ge [sflag:s19], $0x6800  }
0x52: {  	[sflag:s19] =	ssyncset.done $0x0  }
0x53: {  	[sflag:s19] =	ssyncadd.s32 $0xFFFF9800  }
0x54: {  	[tilespmem:s17], [sflag:$0x1] =	stream.indirect.gather [hbm4b:s2+s15], $0x20, s25, s15, $0xb8;
	[tilespmem:$0xEA00] =	vst v63  }
0x55: {  	_ =	swait.ge [sflag:s18], $0x6800  }
0x56: {  	[sflag:s18] =	ssyncset.done $0x0  }
0x57: {  	[sflag:s18] =	ssyncadd.s32 $0xFFFF9800  }
0x58: {  	[hbm4b:s11+s3] =	stream.linear.scatter [tilespmem:s16], [sflag:$0x2], $0x6800, $0x38;
	[tilespmem:$0xEA00] =	vst v63  }
0x59: {  	s26 =	sadd.s32 $0x1, s26;
	_ =	swait.ge [sflag:s18], $0x6800  }
0x5a: {  	p0 =	sne.s32 s26, s13;
	[sflag:s18] =	ssyncset.done $0x0  }
.Ltmp1:
0x5b: {  	[sflag:s18] =	ssyncadd.s32 $0xFFFF9800;
	(pc) =	sbr.rel @p0 .LBB2_1-.Ltmp1, $4  }
0x5c: {  	[hbm4b:s12+s3] =	stream.linear.scatter [tilespmem:s17], [sflag:$0x2], $0x6800, $0x38;
	[tilespmem:$0xEA00] =	vst v63  }
0x5d: {  	_ =	swait.ge [sflag:s19], $0x6800  }
0x5e: {  	[sflag:s19] =	ssyncset.done $0x0  }
0x5f: {  	[sflag:s19] =	ssyncadd.s32 $0xFFFF9800  }
0x60: {  	_ =	sfence.sel $0x180000  }
0x61: {  	[bflag:$0x0] =	sbarrier.arrive $0xFFFF  }
0x62: {  	p0 =	sne.s32 s1, $0x0;
	_ =	strace $0x9000004A  }
0x63: {  	s0 =	sadd.s32 @!p0 $0x100000, s0;
	[bflag:$0x2] =	sbarrier.arrive $0xFFFF  }
0x64: {  	[sflag:s0] =	ssyncadd.tile.s32 @!p0 $0x1;
	_ =	shalt  }
.Lfunc_end2:
_tile_overlayer_lowered:
.L_overlay_start_2:
0x65: {  	(tag) =	ssettag $0x2  }
0x66: {  	s0 =	rddreg [dreg:$0x0];
	s2 =	stileid.u32  }
0x67: {  	s1 =	rddreg [dreg:$0x1];
	p0 =	sne.s32 s2, $0x0  }
0x68: {  	s3 =	rddreg [dreg:$0x2];
	[bflag:$0x3] =	sbarrier.arrive $0xFFFF;
	s2 =	simm.s32 @!p0 $0x1C03  }
0x69: {  	[timem:s3], [sflag:s2] =	dma.local @!p0 [hbm:s0], s1  }
0x6a: {  	s0 =	simm.s32 @!p0 $0x3  }
0x6b: {  	_ =	swait.ge @!p0 [sflag:s0], s1  }
0x6c: {  	s1 =	ssub.s32 @!p0 $0x0, s1;
	[sflag:s0] =	ssyncset.done @!p0 $0x0  }
0x6d: {  	[sflag:s0] =	ssyncadd.s32 @!p0 s1  }
0x6e: {  	[bflag:$0x3] =	sbarrier.arrive $0xFFFF  }
0x6f: {  	_ =	shalt  }

// kernel: kernel.7.cloned.1.call-start
scs
__scs_entry_jumppad:
0x0: {  	(pc) =	sbr.rel $0x88, $3  }
0x1: {  	(tag) =	ssettag $0x0;
	lr =	simm.s32 $0x1  }
0x2: {  	[smem:$0x3F9D] =	sst lr;
	_ =	strace $0xD0000000  }
0x3: {  	_ = 	snop  }
0x4: {  	_ = 	snop  }
0x5: {  	_ = 	snop  }
0x6: {  	_ = 	snop  }
0x7: {  	_ = 	snop  }
__scs_overlays_trampoline_lowered:
0x8: {  	[smem:$0x3FAC] =	sst s0  }
0x9: {  	[smem:$0x3FAD] =	sst s1  }
0xa: {  	[smem:$0x3FAE] =	sst s2  }
0xb: {  	[smem:$0x3FAF] =	sst s3  }
0xc: {  	[smem:$0x3FB0] =	sst s4  }
0xd: {  	[smem:$0x3FB1] =	sst s5  }
0xe: {  	[smem:$0x3FB2] =	sst s6  }
0xf: {  	[smem:$0x3FB3] =	sst s7  }
0x10: {  	[smem:$0x3FB4] =	sst s8  }
0x11: {  	[smem:$0x3FB5] =	sst s9;
	s0 =	simm.s32 @!p0 $0x0  }
0x12: {  	s1 =	sld [smem:$0x3F9B];
	s0 =	simm.s32 @p0 $0x1  }
0x13: {  	[smem:$0x3FB6] =	sst s0;
	s0 =	simm.s32 @!p1 $0x0  }
0x14: {  	s2 =	sld [smem:$0x3F9A];
	s0 =	simm.s32 @p1 $0x1  }
0x15: {  	[smem:$0x3FB7] =	sst s0;
	s0 =	simm.s32 @!p2 $0x0  }
0x16: {  	s3 =	sld [smem:$0x3FDB];
	s0 =	simm.s32 @p2 $0x1  }
0x17: {  	s4 =	simm.s32 $0x1BF5;
	[smem:$0x3FB9] =	sst s0  }
0x18: {  	s0 =	sld [smem:$0x3F9C];
	_ =	swait.ge [sflag:s4], $0x0  }
0x19: {  	s7 =	sld [smem:$0x3F9D]  }
0x1a: {  	s8 =	sadd.s32 $0xFFFFE003, lr  }
0x1b: {  	s9 =	sadd.s32 $0xFFFFFEF7, lr;
	s5 =	simm.s32 $0xFFFFFFFF;
	p2 =	slt.u32 s8, $0xFFFFF086  }
0x1c: {  	p1 =	slt.u32 s9, $0xF7A;
	s5 =	simm.s32 @!p2 $0x0  }
0x1d: {  	s5 =	simm.s32 @p1 $0x1;
	p0 =	seq.s32 s7, s2  }
0x1e: {  	s7 =	smul.u32 @!p0 $0xF7A, s2;
	p2 =	seq.s32 @!p0 s5, $0x0  }
0x1f: {  	s9 =	smul.u32 $0xF7A, s1;
	s8 =	simm.s32 @!p0 $0x1BF5;
	p2 =	por !p2, p0  }
0x20: {  	[sflag:s8] =	ssyncset.s32 @!p0 $0xFFFFF086;
	s6 =	sadd.s32 @!p0 s3, s7;
	s7 =	simm.s32 @!p0 $0x108  }
0x21: {  	s3 =	sadd.s32 s3, s9;
	s6 =	sadd.s32 @!p0 $0x88, s6;
	s7 =	simm.s32 @p2 $0x1082  }
0x22: {  	[simem:s7], [sflag:s8] =	dma.local @!p0 [hbm:s6], $0xF7A  }
0x23: {  	s9 =	sor.u32 $0xD0000000, s2;
	s6 =	simm.s32 $0x108;
	_ =	swait.ge @!p0 [sflag:s8], $0x0  }
0x24: {  	s3 =	sadd.s32 $0x88, s3;
	s6 =	simm.s32 @!p1 $0x1082;
	[sflag:s4] =	ssyncset.s32 $0xFFFFF086  }
0x25: {  	[simem:s6], [sflag:s4] =	dma.local [hbm:s3], $0xF7A  }
0x26: {  	[smem:$0x3F9D] =	sst s1;
	(tag) =	ssettag s2;
	_ =	strace s9  }
0x27: {  	s1 =	sld [smem:$0x3FAD]  }
0x28: {  	s2 =	sld [smem:$0x3FAE]  }
0x29: {  	s4 =	sld [smem:$0x3FB0]  }
0x2a: {  	p0 =	seq.s32 s5, $0x0;
	s5 =	sld [smem:$0x3FB1]  }
0x2b: {  	s6 =	sld [smem:$0x3FB2]  }
0x2c: {  	s7 =	sld [smem:$0x3FB3]  }
0x2d: {  	s3 =	simm.s32 $0x108;
	s8 =	sld [smem:$0x3FB4]  }
0x2e: {  	s3 =	simm.s32 @!p0 $0x1082;
	s9 =	sld [smem:$0x3FB5]  }
0x2f: {  	lr =	sadd.s32 s0, s3;
	s0 =	sld [smem:$0x3FAC]  }
0x30: {  	s3 =	sld [smem:$0x3FAF]  }
0x31: {  	[smem:$0x3FB8] =	sst s10  }
0x32: {  	s10 =	sld [smem:$0x3FB6];
	_ =	sdelay $0x3  }
0x33: {  	p0 =	seq.s32 s10, $0x1;
	s10 =	sld [smem:$0x3FB8];
	_ =	sdelay $0x3  }
0x34: {  	[smem:$0x3FB8] =	sst s10  }
0x35: {  	s10 =	sld [smem:$0x3FB7];
	_ =	sdelay $0x3  }
0x36: {  	p1 =	seq.s32 s10, $0x1;
	s10 =	sld [smem:$0x3FB8];
	_ =	sdelay $0x3  }
0x37: {  	[smem:$0x3FB8] =	sst s10  }
0x38: {  	s10 =	sld [smem:$0x3FB9]  }
0x39: {  	_ = 	snop;
	(pc) =	sbr.ind lr, $3  }
0x3a: {  	_ = 	snop  }
0x3b: {  	_ = 	snop  }
0x3c: {  	p2 =	seq.s32 s10, $0x1;
	s10 =	sld [smem:$0x3FB8]  }
0x3d: {  	_ =	shalt  }
0x3e: {  	_ =	shalt  }
0x3f: {  	_ =	shalt  }
0x40: {  	_ =	shalt  }
0x41: {  	_ =	shalt  }
0x42: {  	_ =	shalt  }
0x43: {  	_ =	shalt  }
0x44: {  	_ =	shalt  }
0x45: {  	_ =	shalt  }
0x46: {  	_ =	shalt  }
0x47: {  	_ =	shalt  }
0x48: {  	_ =	shalt  }
0x49: {  	_ =	shalt  }
0x4a: {  	_ =	shalt  }
0x4b: {  	_ =	shalt  }
0x4c: {  	_ =	shalt  }
0x4d: {  	_ =	shalt  }
0x4e: {  	_ =	shalt  }
0x4f: {  	_ =	shalt  }
0x50: {  	_ =	shalt  }
0x51: {  	_ =	shalt  }
0x52: {  	_ =	shalt  }
0x53: {  	_ =	shalt  }
0x54: {  	_ =	shalt  }
0x55: {  	_ =	shalt  }
0x56: {  	_ =	shalt  }
0x57: {  	_ =	shalt  }
0x58: {  	_ =	shalt  }
0x59: {  	_ =	shalt  }
0x5a: {  	_ =	shalt  }
0x5b: {  	_ =	shalt  }
0x5c: {  	_ =	shalt  }
0x5d: {  	_ =	shalt  }
0x5e: {  	_ =	shalt  }
0x5f: {  	_ =	shalt  }
0x60: {  	_ =	shalt  }
0x61: {  	_ =	shalt  }
0x62: {  	_ =	shalt  }
0x63: {  	_ =	shalt  }
0x64: {  	_ =	shalt  }
0x65: {  	_ =	shalt  }
0x66: {  	_ =	shalt  }
0x67: {  	_ =	shalt  }
0x68: {  	_ =	shalt  }
0x69: {  	_ =	shalt  }
0x6a: {  	_ =	shalt  }
0x6b: {  	_ =	shalt  }
0x6c: {  	_ =	shalt  }
0x6d: {  	_ =	shalt  }
0x6e: {  	_ =	shalt  }
0x6f: {  	_ =	shalt  }
0x70: {  	_ =	shalt  }
0x71: {  	_ =	shalt  }
0x72: {  	_ =	shalt  }
0x73: {  	_ =	shalt  }
0x74: {  	_ =	shalt  }
0x75: {  	_ =	shalt  }
0x76: {  	_ =	shalt  }
0x77: {  	_ =	shalt  }
0x78: {  	_ =	shalt  }
0x79: {  	_ =	shalt  }
0x7a: {  	_ =	shalt  }
0x7b: {  	_ =	shalt  }
0x7c: {  	_ =	shalt  }
0x7d: {  	_ =	shalt  }
0x7e: {  	_ =	shalt  }
0x7f: {  	_ =	shalt  }
0x80: {  	_ =	shalt  }
0x81: {  	_ =	shalt  }
0x82: {  	_ =	shalt  }
0x83: {  	_ =	shalt  }
0x84: {  	_ =	shalt  }
0x85: {  	_ =	shalt  }
0x86: {  	_ =	shalt  }
0x87: {  	_ =	shalt  }
.Lfunc_end0:
.L_simem_size_0:
called_computation_lowered:
.L_overlay_start_0:
0x88: {  	s2 =	sld [smem:$0x3FD9]  }
0x89: {  	s3 =	sld [smem:$0x3FFE];
	_ =	sdelay $0x1  }
0x8a: {  	s1 =	srdreg.scid  }
0x8b: {  	s0 =	sand.u32 $0x1, s1  }
0x8c: {  	s17 =	sshll.u32 s0, $0xA;
	s2 =	sadd.s32 s3, s2  }
0x8d: {  	s2 =	sadd.s32 s2, s17  }
0x8e: {  	[smem:$0x3FC4] =	sst s2  }
0x8f: {  	_ = 	snop  }
0x90: {  	s2 =	sld [smem:$0x3FD0];
	(tm) =	ssettm $0x1  }
0x91: {  	s18 =	sld [smem:$0x3FFB];
	_ =	sdelay $0x3  }
0x92: {  	_ =	strace s18  }
0x93: {  	s3 =	sld [smem:$0x3FFC];
	_ =	sdelay $0x3  }
0x94: {  	_ =	strace s3  }
0x95: {  	s3 =	sld [smem:$0x3FFD];
	_ =	sdelay $0x3  }
0x96: {  	_ =	strace s3  }
0x97: {  	_ =	strace $0x8FFFFFFF  }
0x98: {  	s19 =	sld [smem:$0x3FDB];
	_ =	sdelay $0x1  }
0x99: {  	s4 =	simm.s32 $_scs_section_size  }
0x9a: {  	s5 =	simm.s32 $_size__tile_overlayer_lowered;
	s6 =	simm.s32 $_tile_overlayer_lowered  }
0x9b: {  	s22 =	simm.s32 $0x1BFF;
	s21 =	sshll.u32 s6, $0x1;
	s3 =	sadd.s32 s4, s19  }
0x9c: {  	s7 =	simm.s32 $0x0;
	s20 =	sshll.u32 s5, $0x1;
	s5 =	sadd.s32 s21, s3  }
0x9d: {  	[timem:s7], [sflag:s22] =	dma.local [hbm:s5], s20  }
0x9e: {  	_ =	swait.ge [sflag:s22], s20  }
0x9f: {  	s4 =	ssub.s32 $0x0, s20;
	[sflag:s22] =	ssyncset.done $0x0  }
0xa0: {  	[sflag:s22] =	ssyncadd.s32 s4;
	_ =	sdelay $0x1  }
0xa1: {  	s23 =	simm.s32 $0x1B8B  }
0xa2: {  	_ =	swait.ge [sflag:s23], $0x1  }
0xa3: {  	[sflag:s23] =	ssyncset.done $0x0  }
0xa4: {  	s25 =	simm.s32 $0x1B8E;
	s24 =	sld [smem:$0x3FFE];
	[sflag:s23] =	ssyncadd.s32 $0xFFFFFFFF  }
0xa5: {  	s26 =	simm.s32 $execute0_lowered;
	[smem:$0x3FD2] =	sst s25  }
0xa6: {  	s5 =	sshll.u32 s26, $0x1;
	_ =	strace $0x80000046;
	[dreg:$0x1] =	wrdreg $0xFFFFFFFF  }
0xa7: {  	s28 =	simm.s32 $_size_execute0_lowered;
	s3 =	sadd.s32 s3, s5;
	[dreg:$0x0] =	wrdreg $0x0  }
0xa8: {  	s5 =	sshll.u32 s28, $0x1;
	[dreg:$0x2] =	wrdreg s3  }
0xa9: {  	[dreg:$0x3] =	wrdreg s5  }
0xaa: {  	[dreg:$0x4] =	wrdreg $0xC0  }
0xab: {  	_ =	task [dreg:s7], $0x5FFFF  }
0xac: {  	[dreg:$0x1] =	wrdreg $0xFFFFFFFF  }
0xad: {  	[dreg:$0x0] =	wrdreg $0x60  }
0xae: {  	[dreg:$0x2] =	wrdreg s24  }
0xaf: {  	[dreg:$0x3] =	wrdreg s2  }
0xb0: {  	[dreg:$0x4] =	wrdreg $0x9  }
0xb1: {  	_ =	task.clear_ibuf [dreg:s7], $0x5FFFF;
	_ =	strace $0x90000046  }
0xb2: {  	s29 =	simm.s32 $0x9;
	_ =	strace $0x80000048  }
0xb3: {  	_ =	swait.ge [sflag:s29], $0x1  }
0xb4: {  	[sflag:s29] =	ssyncadd.s32 $0xFFFFFFFF  }
0xb5: {  	_ =	strace $0x90000048  }
0xb6: {  	_ =	sfence  }
0xb7: {  	s30 =	sld [smem:$0x0];
	_ =	sdelay $0x2  }
0xb8: {  	s31 =	sshll.u32 s1, $0xD;
	s1 =	sshrl.u32 s1, $0x2  }
0xb9: {  	s3 =	sand.u32 $0x4000, s31;
	s1 =	sadd.s32 s1, s30  }
0xba: {  	s0 =	sor.u32 s3, s0;
	s1 =	sshll.u32 s1, $0x11  }
0xbb: {  	s0 =	sor.u32 s1, s0  }
0xbc: {  	s0 =	sadd.s32 $0x8F2B, s0  }
0xbd: {  	[sflag:s0] =	ssyncadd.remote.s32 $0x1  }
0xbe: {  	_ =	sfence.sel $0xFFFF  }
0xbf: {  	[dreg:$0x0] =	wrdreg $0xFFFFFFFF;
	(pc) =	sbr.abs _section_cstart, $3  }
0xc0: {  	[dreg:$0x1] =	wrdreg $0xFFFFFFFF  }
0xc1: {  	_ =	task.clear_ibuf [dreg:s7], $0x2FFFF;
	_ =	strace $0x9FFFFFFF  }
0xc2: {  	(tm) =	ssettm $0x7FFFFFFF  }
0xc3: {  	_ =	shalt  }
tec
execute0_lowered:
.L_overlay_start_1:
0x0: {  	(tag) =	ssettag $0x1  }
0x1: {  	s4 =	rddreg [dreg:$0x0];
	s1 =	srdreg.scid  }
0x2: {  	s0 =	stileid.u32;
	s2 =	rddreg [dreg:$0x1];
	s3 =	simm.s32 $0x0  }
0x3: {  	s14 =	simm.s32 $0x3;
	s15 =	simm.s32 $0x340;
	s16 =	simm.s32 $0x1A00  }
0x4: {  	s17 =	simm.s32 $0x8200;
	s18 =	simm.s32 $0x1;
	s19 =	simm.s32 $0x2  }
0x5: {  	s20 =	simm.s32 $0x680;
	s21 =	simm.s32 $0x9C0;
	s22 =	simm.s32 $0xD00  }
0x6: {  	s23 =	simm.s32 $0x1040;
	s5 =	sand.u32 $0x1, s1;
	s6 =	sshll.u32 s0, $0x1  }
0x7: {  	s24 =	simm.s32 $0x1380;
	s25 =	simm.s32 $0x16C0;
	s6 =	sor.u32 s5, s6  }
0x8: {  	s26 =	simm.s32 $0x0;
	s1 =	rddreg [dreg:$0x2];
	s7 =	smul.u32 $0x340, s6  }
0x9: {  	[smem:$0x7FF] =	sst s3;
	s5 =	ssub.s32 $0x2, s5;
	s8 =	smul.u32 $0x34000, s6  }
0xa: {  	s10 =	sadd.s32 $0xDC00, s4;
	s9 =	sshrl.u32 s5, $0x1;
	s6 =	smul.u32 $0x6800, s6  }
0xb: {  	_ =	strace $0x80000047;
	s13 =	ssub.s32 s5, s9;
	s8 =	sshrl.u32 s8, $0x3  }
0xc: {  	s7 =	sadd.s32 s7, s4;
	s5 =	sadd.s32 s10, s6;
	s12 =	sadd.s32 s10, s8  }
0xd: {  	s13 =	smax.u32 s13, $0x1;
	s4 =	sadd.s32 $0xC00, s7;
	s6 =	sadd.s32 $0xD00, s12  }
0xe: {  	s7 =	sadd.s32 $0x1A00, s12;
	s8 =	sadd.s32 $0x2700, s12;
	s9 =	sadd.s32 $0x3400, s12  }
0xf: {  	s10 =	sadd.s32 $0x4100, s12;
	s11 =	sadd.s32 $0x4E00, s12;
	s12 =	sadd.s32 $0x5B00, s12  }
.LBB2_1:
0x10: {  	[tilespmem:s3], [sflag:$0x3] =	stream.linear.gather [hbm4b:s4+s3], $0x1A00, $0x38;
	[tilespmem:$0xEA00] =	vst v63  }
0x11: {  	_ =	swait.ge [sflag:s14], $0x1A00  }
0x12: {  	[sflag:s14] =	ssyncset.done $0x0  }
0x13: {  	s28 =	simm.s32 $0x0;
	s29 =	simm.s32 $0x40;
	[sflag:s14] =	ssyncadd.s32 $0xFFFFE600  }
.LBB2_2:
0x14: {  	p0 =	sne.s32 s29, $0x67C0;
	v0 =	vld [tilespmem:s28+$0x0];
	_ =	sdelay $0x4  }
.Ltmp0:
0x15: {  	v1 =	vshll.u32 v0, $0x2;
	(pc) =	sbr.rel @p0 .LBB2_2-.Ltmp0, $4  }
0x16: {  	v2 =	vand.u32 $0xFFFFF800, v0;
	v0 =	vshrl.u32 v0, $0x9;
	v1 =	vand.u32 $0x7FC, v1  }
0x17: {  	v0 =	vand.u32 $0x3, v0;
	v1 =	vor.u32 v2, v1  }
0x18: {  	v0 =	vor.u32 v0, v1  }
0x19: {  	[tilespmem:s28+$0x0] =	vst v0;
	s28 =	sshra.s32 s29, $0x2;
	s29 =	sadd.s32 $0x40, s29  }
0x1a: {  	v0 =	vld [tilespmem:s28+$0x0];
	_ =	sdelay $0x4  }
0x1b: {  	v1 =	vshll.u32 v0, $0x2  }
0x1c: {  	v2 =	vand.u32 $0xFFFFF800, v0;
	v0 =	vshrl.u32 v0, $0x9;
	v1 =	vand.u32 $0x7FC, v1  }
0x1d: {  	v0 =	vand.u32 $0x3, v0;
	v1 =	vor.u32 v2, v1  }
0x1e: {  	v0 =	vor.u32 v0, v1  }
0x1f: {  	[tilespmem:s28+$0x0] =	vst v0  }
0x20: {  	[tilespmem:s16], [sflag:$0x1] =	stream.indirect.gather [hbm4b:s2+s15], $0x20, s3, s15, $0xb8;
	[tilespmem:$0xEA00] =	vst v63  }
0x21: {  	_ = 	snop  }
0x22: {  	[tilespmem:s17], [sflag:$0x1] =	stream.indirect.gather [hbm4b:s2+s15], $0x20, s15, s15, $0xb8;
	[tilespmem:$0xEA00] =	vst v63  }
0x23: {  	_ =	swait.ge [sflag:s18], $0x6800  }
0x24: {  	[sflag:s18] =	ssyncset.done $0x0  }
0x25: {  	[sflag:s18] =	ssyncadd.s32 $0xFFFF9800  }
0x26: {  	[hbm4b:s5+s3] =	stream.linear.scatter [tilespmem:s16], [sflag:$0x2], $0x6800, $0x38;
	[tilespmem:$0xEA00] =	vst v63  }
0x27: {  	_ =	swait.ge [sflag:s19], $0x6800  }
0x28: {  	[sflag:s19] =	ssyncset.done $0x0  }
0x29: {  	[sflag:s19] =	ssyncadd.s32 $0xFFFF9800  }
0x2a: {  	[tilespmem:s16], [sflag:$0x1] =	stream.indirect.gather [hbm4b:s2+s15], $0x20, s20, s15, $0xb8;
	[tilespmem:$0xEA00] =	vst v63  }
0x2b: {  	_ =	swait.ge [sflag:s18], $0x6800  }
0x2c: {  	[sflag:s18] =	ssyncset.done $0x0  }
0x2d: {  	[sflag:s18] =	ssyncadd.s32 $0xFFFF9800  }
0x2e: {  	[hbm4b:s6+s3] =	stream.linear.scatter [tilespmem:s17], [sflag:$0x2], $0x6800, $0x38;
	[tilespmem:$0xEA00] =	vst v63  }
0x2f: {  	_ =	swait.ge [sflag:s19], $0x6800  }
0x30: {  	[sflag:s19] =	ssyncset.done $0x0  }
0x31: {  	[sflag:s19] =	ssyncadd.s32 $0xFFFF9800  }
0x32: {  	[tilespmem:s17], [sflag:$0x1] =	stream.indirect.gather [hbm4b:s2+s15], $0x20, s21, s15, $0xb8;
	[tilespmem:$0xEA00] =	vst v63  }
0x33: {  	_ =	swait.ge [sflag:s18], $0x6800  }
0x34: {  	[sflag:s18] =	ssyncset.done $0x0  }
0x35: {  	[sflag:s18] =	ssyncadd.s32 $0xFFFF9800  }
0x36: {  	[hbm4b:s7+s3] =	stream.linear.scatter [tilespmem:s16], [sflag:$0x2], $0x6800, $0x38;
	[tilespmem:$0xEA00] =	vst v63  }
0x37: {  	_ =	swait.ge [sflag:s19], $0x6800  }
0x38: {  	[sflag:s19] =	ssyncset.done $0x0  }
0x39: {  	[sflag:s19] =	ssyncadd.s32 $0xFFFF9800  }
0x3a: {  	[tilespmem:s16], [sflag:$0x1] =	stream.indirect.gather [hbm4b:s2+s15], $0x20, s22, s15, $0xb8;
	[tilespmem:$0xEA00] =	vst v63  }
0x3b: {  	_ =	swait.ge [sflag:s18], $0x6800  }
0x3c: {  	[sflag:s18] =	ssyncset.done $0x0  }
0x3d: {  	[sflag:s18] =	ssyncadd.s32 $0xFFFF9800  }
0x3e: {  	[hbm4b:s8+s3] =	stream.linear.scatter [tilespmem:s17], [sflag:$0x2], $0x6800, $0x38;
	[tilespmem:$0xEA00] =	vst v63  }
0x3f: {  	_ =	swait.ge [sflag:s19], $0x6800  }
0x40: {  	[sflag:s19] =	ssyncset.done $0x0  }
0x41: {  	[sflag:s19] =	ssyncadd.s32 $0xFFFF9800  }
0x42: {  	[tilespmem:s17], [sflag:$0x1] =	stream.indirect.gather [hbm4b:s2+s15], $0x20, s23, s15, $0xb8;
	[tilespmem:$0xEA00] =	vst v63  }
0x43: {  	_ =	swait.ge [sflag:s18], $0x6800  }
0x44: {  	[sflag:s18] =	ssyncset.done $0x0  }
0x45: {  	[sflag:s18] =	ssyncadd.s32 $0xFFFF9800  }
0x46: {  	[hbm4b:s9+s3] =	stream.linear.scatter [tilespmem:s16], [sflag:$0x2], $0x6800, $0x38;
	[tilespmem:$0xEA00] =	vst v63  }
0x47: {  	_ =	swait.ge [sflag:s19], $0x6800  }
0x48: {  	[sflag:s19] =	ssyncset.done $0x0  }
0x49: {  	[sflag:s19] =	ssyncadd.s32 $0xFFFF9800  }
0x4a: {  	[tilespmem:s16], [sflag:$0x1] =	stream.indirect.gather [hbm4b:s2+s15], $0x20, s24, s15, $0xb8;
	[tilespmem:$0xEA00] =	vst v63  }
0x4b: {  	_ =	swait.ge [sflag:s18], $0x6800  }
0x4c: {  	[sflag:s18] =	ssyncset.done $0x0  }
0x4d: {  	[sflag:s18] =	ssyncadd.s32 $0xFFFF9800  }
0x4e: {  	[hbm4b:s10+s3] =	stream.linear.scatter [tilespmem:s17], [sflag:$0x2], $0x6800, $0x38;
	[tilespmem:$0xEA00] =	vst v63  }
0x4f: {  	_ =	swait.ge [sflag:s19], $0x6800  }
0x50: {  	[sflag:s19] =	ssyncset.done $0x0  }
0x51: {  	[sflag:s19] =	ssyncadd.s32 $0xFFFF9800  }
0x52: {  	[tilespmem:s17], [sflag:$0x1] =	stream.indirect.gather [hbm4b:s2+s15], $0x20, s25, s15, $0xb8;
	[tilespmem:$0xEA00] =	vst v63  }
0x53: {  	_ =	swait.ge [sflag:s18], $0x6800  }
0x54: {  	[sflag:s18] =	ssyncset.done $0x0  }
0x55: {  	[sflag:s18] =	ssyncadd.s32 $0xFFFF9800  }
0x56: {  	[hbm4b:s11+s3] =	stream.linear.scatter [tilespmem:s16], [sflag:$0x2], $0x6800, $0x38;
	[tilespmem:$0xEA00] =	vst v63  }
0x57: {  	s26 =	sadd.s32 $0x1, s26;
	_ =	swait.ge [sflag:s18], $0x6800  }
0x58: {  	p0 =	sne.s32 s26, s13;
	[sflag:s18] =	ssyncset.done $0x0  }
.Ltmp1:
0x59: {  	[sflag:s18] =	ssyncadd.s32 $0xFFFF9800;
	(pc) =	sbr.rel @p0 .LBB2_1-.Ltmp1, $4  }
0x5a: {  	[hbm4b:s12+s3] =	stream.linear.scatter [tilespmem:s17], [sflag:$0x2], $0x6800, $0x38;
	[tilespmem:$0xEA00] =	vst v63  }
0x5b: {  	_ =	swait.ge [sflag:s19], $0x6800  }
0x5c: {  	[sflag:s19] =	ssyncset.done $0x0  }
0x5d: {  	[sflag:s19] =	ssyncadd.s32 $0xFFFF9800  }
0x5e: {  	_ =	sfence.sel $0x180000  }
0x5f: {  	[bflag:$0x0] =	sbarrier.arrive $0xFFFF  }
0x60: {  	p0 =	sne.s32 s0, $0x0;
	_ =	strace $0x90000047  }
0x61: {  	s0 =	sadd.s32 @!p0 $0x100000, s1;
	[bflag:$0x2] =	sbarrier.arrive $0xFFFF  }
0x62: {  	[sflag:s0] =	ssyncadd.tile.s32 @!p0 $0x1;
	_ =	shalt  }
.Lfunc_end2:
_tile_overlayer_lowered:
.L_overlay_start_2:
0x63: {  	(tag) =	ssettag $0x2  }
0x64: {  	s0 =	rddreg [dreg:$0x0];
	s2 =	stileid.u32  }
0x65: {  	s1 =	rddreg [dreg:$0x1];
	p0 =	sne.s32 s2, $0x0  }
0x66: {  	s3 =	rddreg [dreg:$0x2];
	[bflag:$0x3] =	sbarrier.arrive $0xFFFF;
	s2 =	simm.s32 @!p0 $0x1C03  }
0x67: {  	[timem:s3], [sflag:s2] =	dma.local @!p0 [hbm:s0], s1  }
0x68: {  	s0 =	simm.s32 @!p0 $0x3  }
0x69: {  	_ =	swait.ge @!p0 [sflag:s0], s1  }
0x6a: {  	s1 =	ssub.s32 @!p0 $0x0, s1;
	[sflag:s0] =	ssyncset.done @!p0 $0x0  }
0x6b: {  	[sflag:s0] =	ssyncadd.s32 @!p0 s1  }
0x6c: {  	[bflag:$0x3] =	sbarrier.arrive $0xFFFF  }
0x6d: {  	_ =	shalt  }

</sc_bundles>
